<compile_context>
chip_gen: v7x
topology: tpu7x:2x2x1
jax: 0.10.2.dev20260603
libtpu: 0.0.44.dev20260713+nightly
codegen_flags: <defaults>
</compile_context>

<pallas_src>
import functools

import jax
import jax.numpy as jnp
from jax import lax
from jax.experimental import pallas as pl
from jax.experimental.pallas import tpu as pltpu
from jax.experimental.pallas import tpu_sc as plsc

B, N, M, C = 4096, 200, 50, 128
MP = 56
L = 16
NW = 32
BPW = B // NW
CHUNKS = (M * C) // L


def _body(x_hbm, idx_hbm, out_hbm,
          xv0, xv1, iv0, iv1, ov0, ov1,
          sx0, sx1, si0, si1, so0, so1):
    wid = lax.axis_index("s") * 2 + lax.axis_index("c")
    base_b = wid * BPW
    lane = lax.broadcasted_iota(jnp.int32, (L,), 0)
    xv, iv, ov = (xv0, xv1), (iv0, iv1), (ov0, ov1)
    sx, si, so = (sx0, sx1), (si0, si1), (so0, so1)

    for p in range(2):
        pltpu.async_copy(x_hbm.at[base_b + p], xv[p], sx[p])
        pltpu.async_copy(idx_hbm.at[base_b + p], iv[p], si[p])

    def gather_batch(src_x, src_i, dst_o):
        @plsc.parallel_loop(0, CHUNKS, unroll=8)
        def _(j):
            row = j // (C // L)
            cs = (j % (C // L)) * L
            idxv = src_i[row, pl.ds(cs, L)]
            dst_o[row, pl.ds(cs, L)] = plsc.load_gather(
                src_x, [idxv, cs + lane])

    def step(t, carry):
        for p in range(2):
            b = base_b + 2 * t + p
            pltpu.make_async_copy(x_hbm.at[b], xv[p], sx[p]).wait()
            pltpu.make_async_copy(idx_hbm.at[b], iv[p], si[p]).wait()

            @pl.when(t > 0)
            def _():
                pltpu.make_async_copy(ov[p], out_hbm.at[b - 2], so[p]).wait()

            gather_batch(xv[p], iv[p], ov[p])
            pltpu.async_copy(ov[p], out_hbm.at[b], so[p])

            @pl.when(t < BPW // 2 - 1)
            def _():
                pltpu.async_copy(x_hbm.at[b + 2], xv[p], sx[p])
                pltpu.async_copy(idx_hbm.at[b + 2], iv[p], si[p])
        return carry

    lax.fori_loop(0, BPW // 2, step, 0)
    for p in range(2):
        pltpu.make_async_copy(ov[p], out_hbm.at[base_b + BPW - 2 + p],
                              so[p]).wait()


@jax.jit
def _gather_sc(x, idx):
    mesh = plsc.VectorSubcoreMesh(core_axis_name="c", subcore_axis_name="s")
    f = functools.partial(
        pl.kernel,
        out_type=jax.ShapeDtypeStruct((B, MP, C), jnp.float32),
        mesh=mesh,
        scratch_types=[
            pltpu.VMEM((N, C), jnp.float32),
            pltpu.VMEM((N, C), jnp.float32),
            pltpu.VMEM((M, C), jnp.int32),
            pltpu.VMEM((M, C), jnp.int32),
            pltpu.VMEM((MP, C), jnp.float32),
            pltpu.VMEM((MP, C), jnp.float32),
            pltpu.SemaphoreType.DMA,
            pltpu.SemaphoreType.DMA,
            pltpu.SemaphoreType.DMA,
            pltpu.SemaphoreType.DMA,
            pltpu.SemaphoreType.DMA,
            pltpu.SemaphoreType.DMA,
        ],
        compiler_params=pltpu.CompilerParams(needs_layout_passes=False),
    )(_body)
    return f(x, idx)[:, :M, :]


def kernel(x, indices):
    return _gather_sc(x, indices.astype(jnp.int32))

# --- scband reference (transcript-rebuilt; emitter-appended) ---
"""Pipeline reference for scband-gather-op-15994458210794 (READ-ONLY COPY).

The authoritative reference and input builder live on the scoring server;
editing this copy changes nothing except your own understanding.
"""

import jax, jax.numpy as jnp
import numpy as np


def setup_inputs(seed: int = 0) -> dict:
    key = jax.random.key(seed)
    k1, k2 = jax.random.split(key)
    x = jax.random.normal(k1, (4096, 200, 128), dtype=jnp.float32)
    indices = jax.random.randint(k2, (4096, 50, 128), 0, 200).astype(jnp.int64)
    return {"x": x, "indices": indices}


def reference(x, indices):
    # torch.gather(x, dim=1, index=indices) == take_along_axis on axis 1
    return jnp.take_along_axis(x, indices, axis=1)

if __name__ == "__main__":
    import jax
    _d = setup_inputs()
    print(jax.jit(kernel)(*tuple(_d.values())))

</pallas_src>

<mosaic_0001>
#map = affine_map<(d0, d1) -> (0, 0, 0)>
module attributes {stable_mosaic.version = 14 : i64} {
  func.func @_body(%arg0: i32, %arg1: i32, %arg2: memref<4096x200x128xf32, #tpu.memory_space<hbm>>, %arg3: memref<4096x50x128xi32, #tpu.memory_space<hbm>>, %arg4: memref<4096x56x128xf32, #tpu.memory_space<hbm>>, %arg5: memref<200x128xf32, #tpu.memory_space<vmem>>, %arg6: memref<200x128xf32, #tpu.memory_space<vmem>>, %arg7: memref<50x128xi32, #tpu.memory_space<vmem>>, %arg8: memref<50x128xi32, #tpu.memory_space<vmem>>, %arg9: memref<56x128xf32, #tpu.memory_space<vmem>>, %arg10: memref<56x128xf32, #tpu.memory_space<vmem>>, %arg11: memref<!tpu.dma_semaphore, #tpu.memory_space<semaphore_mem>>, %arg12: memref<!tpu.dma_semaphore, #tpu.memory_space<semaphore_mem>>, %arg13: memref<!tpu.dma_semaphore, #tpu.memory_space<semaphore_mem>>, %arg14: memref<!tpu.dma_semaphore, #tpu.memory_space<semaphore_mem>>, %arg15: memref<!tpu.dma_semaphore, #tpu.memory_space<semaphore_mem>>, %arg16: memref<!tpu.dma_semaphore, #tpu.memory_space<semaphore_mem>>) attributes {dimension_semantics = [#tpu.dimension_semantics<core_parallel>, #tpu.dimension_semantics<subcore_parallel>], iteration_bounds = array<i64: 2, 16>, scalar_prefetch = 0 : i64, scratch_operands = 12 : i64, tpu.core_type = #tpu.core_type<sc_vector_subcore>, window_params = [{transform_indices = #map}, {transform_indices = #map}, {transform_indices = #map}]} {
    %mul3A = arith.constant 2 : i32
    %mul3A_0 = arith.muli %arg1, %mul3A : i32
    %add3A = arith.addi %mul3A_0, %arg0 : i32
    %mul3A_1 = arith.constant 128 : i32
    %mul3A_2 = arith.muli %add3A, %mul3A_1 : i32
    %iota3A = tpu.iota {dimensions = array<i32: 0>} : vector<16xi32>
    %add3A_3 = arith.constant 0 : i32
    %add3A_4 = arith.addi %mul3A_2, %add3A_3 : i32
    %dma_start3A = arith.constant 0 : i32
    %dma_start3A_5 = arith.constant 0 : i32
    %dma_start3A_6 = tpu.memref_slice %arg2[%add3A_4, %dma_start3A, %dma_start3A_5] : memref<4096x200x128xf32, #tpu.memory_space<hbm>> -> memref<1x200x128xf32, #tpu.memory_space<hbm>>
    %dma_start3A_7 = tpu.memref_squeeze %dma_start3A_6 : memref<1x200x128xf32, #tpu.memory_space<hbm>> -> memref<200x128xf32, #tpu.memory_space<hbm>>
    %dma_start3A_8 = arith.constant 0 : i32
    %dma_start3A_9 = arith.constant 0 : i32
    %dma_start3A_10 = tpu.memref_slice %arg2[%add3A_4, %dma_start3A_8, %dma_start3A_9] : memref<4096x200x128xf32, #tpu.memory_space<hbm>> -> memref<1x200x128xf32, #tpu.memory_space<hbm>>
    %dma_start3A_11 = tpu.memref_squeeze %dma_start3A_10 : memref<1x200x128xf32, #tpu.memory_space<hbm>> -> memref<200x128xf32, #tpu.memory_space<hbm>>
    tpu.enqueue_dma source(%dma_start3A_11 : memref<200x128xf32, #tpu.memory_space<hbm>>) target(%arg5 : memref<200x128xf32, #tpu.memory_space<vmem>>) target_semaphore(%arg11 : memref<!tpu.dma_semaphore, #tpu.memory_space<semaphore_mem>>)
    %add3A_12 = arith.constant 0 : i32
    %add3A_13 = arith.addi %mul3A_2, %add3A_12 : i32
    %dma_start3A_14 = arith.constant 0 : i32
    %dma_start3A_15 = arith.constant 0 : i32
    %dma_start3A_16 = tpu.memref_slice %arg3[%add3A_13, %dma_start3A_14, %dma_start3A_15] : memref<4096x50x128xi32, #tpu.memory_space<hbm>> -> memref<1x50x128xi32, #tpu.memory_space<hbm>>
    %dma_start3A_17 = tpu.memref_squeeze %dma_start3A_16 : memref<1x50x128xi32, #tpu.memory_space<hbm>> -> memref<50x128xi32, #tpu.memory_space<hbm>>
    %dma_start3A_18 = arith.constant 0 : i32
    %dma_start3A_19 = arith.constant 0 : i32
    %dma_start3A_20 = tpu.memref_slice %arg3[%add3A_13, %dma_start3A_18, %dma_start3A_19] : memref<4096x50x128xi32, #tpu.memory_space<hbm>> -> memref<1x50x128xi32, #tpu.memory_space<hbm>>
    %dma_start3A_21 = tpu.memref_squeeze %dma_start3A_20 : memref<1x50x128xi32, #tpu.memory_space<hbm>> -> memref<50x128xi32, #tpu.memory_space<hbm>>
    tpu.enqueue_dma source(%dma_start3A_21 : memref<50x128xi32, #tpu.memory_space<hbm>>) target(%arg7 : memref<50x128xi32, #tpu.memory_space<vmem>>) target_semaphore(%arg13 : memref<!tpu.dma_semaphore, #tpu.memory_space<semaphore_mem>>)
    %add3A_22 = arith.constant 1 : i32
    %add3A_23 = arith.addi %mul3A_2, %add3A_22 : i32
    %dma_start3A_24 = arith.constant 0 : i32
    %dma_start3A_25 = arith.constant 0 : i32
    %dma_start3A_26 = tpu.memref_slice %arg2[%add3A_23, %dma_start3A_24, %dma_start3A_25] : memref<4096x200x128xf32, #tpu.memory_space<hbm>> -> memref<1x200x128xf32, #tpu.memory_space<hbm>>
    %dma_start3A_27 = tpu.memref_squeeze %dma_start3A_26 : memref<1x200x128xf32, #tpu.memory_space<hbm>> -> memref<200x128xf32, #tpu.memory_space<hbm>>
    %dma_start3A_28 = arith.constant 0 : i32
    %dma_start3A_29 = arith.constant 0 : i32
    %dma_start3A_30 = tpu.memref_slice %arg2[%add3A_23, %dma_start3A_28, %dma_start3A_29] : memref<4096x200x128xf32, #tpu.memory_space<hbm>> -> memref<1x200x128xf32, #tpu.memory_space<hbm>>
    %dma_start3A_31 = tpu.memref_squeeze %dma_start3A_30 : memref<1x200x128xf32, #tpu.memory_space<hbm>> -> memref<200x128xf32, #tpu.memory_space<hbm>>
    tpu.enqueue_dma source(%dma_start3A_31 : memref<200x128xf32, #tpu.memory_space<hbm>>) target(%arg6 : memref<200x128xf32, #tpu.memory_space<vmem>>) target_semaphore(%arg12 : memref<!tpu.dma_semaphore, #tpu.memory_space<semaphore_mem>>)
    %add3A_32 = arith.constant 1 : i32
    %add3A_33 = arith.addi %mul3A_2, %add3A_32 : i32
    %dma_start3A_34 = arith.constant 0 : i32
    %dma_start3A_35 = arith.constant 0 : i32
    %dma_start3A_36 = tpu.memref_slice %arg3[%add3A_33, %dma_start3A_34, %dma_start3A_35] : memref<4096x50x128xi32, #tpu.memory_space<hbm>> -> memref<1x50x128xi32, #tpu.memory_space<hbm>>
    %dma_start3A_37 = tpu.memref_squeeze %dma_start3A_36 : memref<1x50x128xi32, #tpu.memory_space<hbm>> -> memref<50x128xi32, #tpu.memory_space<hbm>>
    %dma_start3A_38 = arith.constant 0 : i32
    %dma_start3A_39 = arith.constant 0 : i32
    %dma_start3A_40 = tpu.memref_slice %arg3[%add3A_33, %dma_start3A_38, %dma_start3A_39] : memref<4096x50x128xi32, #tpu.memory_space<hbm>> -> memref<1x50x128xi32, #tpu.memory_space<hbm>>
    %dma_start3A_41 = tpu.memref_squeeze %dma_start3A_40 : memref<1x50x128xi32, #tpu.memory_space<hbm>> -> memref<50x128xi32, #tpu.memory_space<hbm>>
    tpu.enqueue_dma source(%dma_start3A_41 : memref<50x128xi32, #tpu.memory_space<hbm>>) target(%arg8 : memref<50x128xi32, #tpu.memory_space<vmem>>) target_semaphore(%arg14 : memref<!tpu.dma_semaphore, #tpu.memory_space<semaphore_mem>>)
    %scan3A = arith.constant 0 : i32
    %scan3A_42 = arith.constant 0 : i32
    %scan3A_43 = arith.constant 64 : i32
    %scan3A_44 = arith.addi %scan3A_42, %scan3A_43 : i32
    %scan3A_45 = arith.constant 1 : i32
    scf.for %scan3A_73 = %scan3A_42 to %scan3A_44 step %scan3A_45  : i32 {
      %mul3A_74 = arith.constant 2 : i32
      %mul3A_75 = arith.muli %mul3A_74, %scan3A_73 : i32
      %add3A_76 = arith.addi %mul3A_2, %mul3A_75 : i32
      %add3A_77 = arith.constant 0 : i32
      %add3A_78 = arith.addi %add3A_76, %add3A_77 : i32
      %dma_wait3A_79 = arith.constant 0 : i32
      %dma_wait3A_80 = arith.constant 0 : i32
      %dma_wait3A_81 = tpu.memref_slice %arg2[%add3A_78, %dma_wait3A_79, %dma_wait3A_80] : memref<4096x200x128xf32, #tpu.memory_space<hbm>> -> memref<1x200x128xf32, #tpu.memory_space<hbm>>
      %dma_wait3A_82 = tpu.memref_squeeze %dma_wait3A_81 : memref<1x200x128xf32, #tpu.memory_space<hbm>> -> memref<200x128xf32, #tpu.memory_space<hbm>>
      %dma_wait3A_83 = arith.constant 0 : i32
      %dma_wait3A_84 = arith.constant 0 : i32
      %dma_wait3A_85 = tpu.memref_slice %arg2[%add3A_78, %dma_wait3A_83, %dma_wait3A_84] : memref<4096x200x128xf32, #tpu.memory_space<hbm>> -> memref<1x200x128xf32, #tpu.memory_space<hbm>>
      %dma_wait3A_86 = tpu.memref_squeeze %dma_wait3A_85 : memref<1x200x128xf32, #tpu.memory_space<hbm>> -> memref<200x128xf32, #tpu.memory_space<hbm>>
      tpu.wait_dma2 semaphore(%arg11 : memref<!tpu.dma_semaphore, #tpu.memory_space<semaphore_mem>>) src(%dma_wait3A_86 : memref<200x128xf32, #tpu.memory_space<hbm>>) dst(%arg5 : memref<200x128xf32, #tpu.memory_space<vmem>>)
      %dma_wait3A_87 = arith.constant 0 : i32
      %dma_wait3A_88 = arith.constant 0 : i32
      %dma_wait3A_89 = tpu.memref_slice %arg3[%add3A_78, %dma_wait3A_87, %dma_wait3A_88] : memref<4096x50x128xi32, #tpu.memory_space<hbm>> -> memref<1x50x128xi32, #tpu.memory_space<hbm>>
      %dma_wait3A_90 = tpu.memref_squeeze %dma_wait3A_89 : memref<1x50x128xi32, #tpu.memory_space<hbm>> -> memref<50x128xi32, #tpu.memory_space<hbm>>
      %dma_wait3A_91 = arith.constant 0 : i32
      %dma_wait3A_92 = arith.constant 0 : i32
      %dma_wait3A_93 = tpu.memref_slice %arg3[%add3A_78, %dma_wait3A_91, %dma_wait3A_92] : memref<4096x50x128xi32, #tpu.memory_space<hbm>> -> memref<1x50x128xi32, #tpu.memory_space<hbm>>
      %dma_wait3A_94 = tpu.memref_squeeze %dma_wait3A_93 : memref<1x50x128xi32, #tpu.memory_space<hbm>> -> memref<50x128xi32, #tpu.memory_space<hbm>>
      tpu.wait_dma2 semaphore(%arg13 : memref<!tpu.dma_semaphore, #tpu.memory_space<semaphore_mem>>) src(%dma_wait3A_94 : memref<50x128xi32, #tpu.memory_space<hbm>>) dst(%arg7 : memref<50x128xi32, #tpu.memory_space<vmem>>)
      %gt3A = arith.constant 0 : i32
      %gt3A_95 = arith.cmpi sgt, %scan3A_73, %gt3A : i32
      %convert_element_type3A = arith.extui %gt3A_95 : i1 to i32
      %cond3A = arith.constant 0 : i32
      %cond3A_96 = arith.cmpi ne, %convert_element_type3A, %cond3A : i32
      scf.if %cond3A_96 {
        %sub3A_153 = arith.constant 2 : i32
        %sub3A_154 = arith.subi %add3A_78, %sub3A_153 : i32
        %dma_wait3A_155 = arith.constant 0 : i32
        %dma_wait3A_156 = arith.constant 0 : i32
        %dma_wait3A_157 = tpu.memref_slice %arg4[%sub3A_154, %dma_wait3A_155, %dma_wait3A_156] : memref<4096x56x128xf32, #tpu.memory_space<hbm>> -> memref<1x56x128xf32, #tpu.memory_space<hbm>>
        %dma_wait3A_158 = tpu.memref_squeeze %dma_wait3A_157 : memref<1x56x128xf32, #tpu.memory_space<hbm>> -> memref<56x128xf32, #tpu.memory_space<hbm>>
        %dma_wait3A_159 = arith.constant 0 : i32
        %dma_wait3A_160 = arith.constant 0 : i32
        %dma_wait3A_161 = tpu.memref_slice %arg4[%sub3A_154, %dma_wait3A_159, %dma_wait3A_160] : memref<4096x56x128xf32, #tpu.memory_space<hbm>> -> memref<1x56x128xf32, #tpu.memory_space<hbm>>
        %dma_wait3A_162 = tpu.memref_squeeze %dma_wait3A_161 : memref<1x56x128xf32, #tpu.memory_space<hbm>> -> memref<56x128xf32, #tpu.memory_space<hbm>>
        tpu.wait_dma2 semaphore(%arg15 : memref<!tpu.dma_semaphore, #tpu.memory_space<semaphore_mem>>) src(%arg9 : memref<56x128xf32, #tpu.memory_space<vmem>>) dst(%dma_wait3A_162 : memref<56x128xf32, #tpu.memory_space<hbm>>)
      } else {
      }
      %parallel_loop3A = arith.constant 0 : i32
      %parallel_loop3A_97 = arith.constant 400 : i32
      %parallel_loop3A_98 = arith.constant 1 : i32
      scf.for %parallel_loop3A_153 = %parallel_loop3A to %parallel_loop3A_97 step %parallel_loop3A_98  : i32 {
        %parallel_loop3A_154 = arith.constant 8 : i32
        %parallel_loop3A_155 = arith.divsi %parallel_loop3A_153, %parallel_loop3A_154 : i32
        %parallel_loop3A_156 = arith.constant 0 : i32
        %parallel_loop3A_157 = arith.cmpi sgt, %parallel_loop3A_153, %parallel_loop3A_156 : i32
        %parallel_loop3A_158 = arith.extui %parallel_loop3A_157 : i1 to i32
        %parallel_loop3A_159 = arith.constant 0 : i32
        %parallel_loop3A_160 = arith.cmpi slt, %parallel_loop3A_153, %parallel_loop3A_159 : i32
        %parallel_loop3A_161 = arith.extui %parallel_loop3A_160 : i1 to i32
        %parallel_loop3A_162 = arith.subi %parallel_loop3A_158, %parallel_loop3A_161 : i32
        %parallel_loop3A_163 = arith.constant 0 : i32
        %parallel_loop3A_164 = arith.cmpi sgt, %parallel_loop3A_154, %parallel_loop3A_163 : i32
        %parallel_loop3A_165 = arith.extui %parallel_loop3A_164 : i1 to i32
        %parallel_loop3A_166 = arith.constant 0 : i32
        %parallel_loop3A_167 = arith.cmpi slt, %parallel_loop3A_154, %parallel_loop3A_166 : i32
        %parallel_loop3A_168 = arith.extui %parallel_loop3A_167 : i1 to i32
        %parallel_loop3A_169 = arith.subi %parallel_loop3A_165, %parallel_loop3A_168 : i32
        %parallel_loop3A_170 = arith.cmpi ne, %parallel_loop3A_162, %parallel_loop3A_169 : i32
        %parallel_loop3A_171 = arith.remsi %parallel_loop3A_153, %parallel_loop3A_154 : i32
        %parallel_loop3A_172 = arith.constant 0 : i32
        %parallel_loop3A_173 = arith.cmpi ne, %parallel_loop3A_171, %parallel_loop3A_172 : i32
        %parallel_loop3A_174 = arith.andi %parallel_loop3A_170, %parallel_loop3A_173 : i1
        %parallel_loop3A_175 = arith.constant 1 : i32
        %parallel_loop3A_176 = arith.subi %parallel_loop3A_155, %parallel_loop3A_175 : i32
        %parallel_loop3A_177 = arith.select %parallel_loop3A_174, %parallel_loop3A_176, %parallel_loop3A_155 : i32
        %parallel_loop3A_178 = arith.constant 8 : i32
        %parallel_loop3A_179 = arith.constant 0 : i32
        %parallel_loop3A_180 = arith.cmpi eq, %parallel_loop3A_178, %parallel_loop3A_179 : i32
        %parallel_loop3A_181 = arith.constant 1 : i32
        %parallel_loop3A_182 = arith.select %parallel_loop3A_180, %parallel_loop3A_181, %parallel_loop3A_178 : i32
        %parallel_loop3A_183 = arith.remsi %parallel_loop3A_153, %parallel_loop3A_182 : i32
        %parallel_loop3A_184 = arith.constant 0 : i32
        %parallel_loop3A_185 = arith.cmpi ne, %parallel_loop3A_183, %parallel_loop3A_184 : i32
        %parallel_loop3A_186 = arith.constant 0 : i32
        %parallel_loop3A_187 = arith.cmpi slt, %parallel_loop3A_183, %parallel_loop3A_186 : i32
        %parallel_loop3A_188 = arith.constant 0 : i32
        %parallel_loop3A_189 = arith.cmpi slt, %parallel_loop3A_182, %parallel_loop3A_188 : i32
        %parallel_loop3A_190 = arith.xori %parallel_loop3A_187, %parallel_loop3A_189 : i1
        %parallel_loop3A_191 = arith.andi %parallel_loop3A_190, %parallel_loop3A_185 : i1
        %parallel_loop3A_192 = arith.addi %parallel_loop3A_183, %parallel_loop3A_182 : i32
        %parallel_loop3A_193 = arith.select %parallel_loop3A_191, %parallel_loop3A_192, %parallel_loop3A_183 : i32
        %parallel_loop3A_194 = arith.constant 16 : i32
        %parallel_loop3A_195 = arith.muli %parallel_loop3A_193, %parallel_loop3A_194 : i32
        %parallel_loop3A_196 = arith.index_cast %parallel_loop3A_177 : i32 to index
        %parallel_loop3A_197 = arith.index_cast %parallel_loop3A_195 : i32 to index
        %parallel_loop3A_198 = tpu.vector_load %arg7[%parallel_loop3A_196, %parallel_loop3A_197] {strides = array<i32>} : memref<50x128xi32, #tpu.memory_space<vmem>>, vector<16xi32>,
        %parallel_loop3A_199 = vector.broadcast %parallel_loop3A_195 : i32 to vector<16xi32>
        %parallel_loop3A_200 = arith.addi %parallel_loop3A_199, %iota3A : vector<16xi32>
        %parallel_loop3A_201 = tpu.vector_load_idx %arg5[%parallel_loop3A_198, %parallel_loop3A_200] : memref<200x128xf32, #tpu.memory_space<vmem>>[vector<16xi32>, vector<16xi32>], vector<16xf32>,
        %parallel_loop3A_202 = arith.index_cast %parallel_loop3A_177 : i32 to index
        %parallel_loop3A_203 = arith.index_cast %parallel_loop3A_195 : i32 to index
        %parallel_loop3A_204 = tpu.vector_load %arg9[%parallel_loop3A_202, %parallel_loop3A_203] {strides = array<i32>} : memref<56x128xf32, #tpu.memory_space<vmem>>, vector<16xf32>,
        tpu.vector_store %arg9[%parallel_loop3A_202, %parallel_loop3A_203], %parallel_loop3A_201 {strides = array<i32>} : memref<56x128xf32, #tpu.memory_space<vmem>>, vector<16xf32>,
      } {sc.loop_unroll_factor = 8 : i64, sc.parallel_access}
      %dma_start3A_99 = arith.constant 0 : i32
      %dma_start3A_100 = arith.constant 0 : i32
      %dma_start3A_101 = tpu.memref_slice %arg4[%add3A_78, %dma_start3A_99, %dma_start3A_100] : memref<4096x56x128xf32, #tpu.memory_space<hbm>> -> memref<1x56x128xf32, #tpu.memory_space<hbm>>
      %dma_start3A_102 = tpu.memref_squeeze %dma_start3A_101 : memref<1x56x128xf32, #tpu.memory_space<hbm>> -> memref<56x128xf32, #tpu.memory_space<hbm>>
      %dma_start3A_103 = arith.constant 0 : i32
      %dma_start3A_104 = arith.constant 0 : i32
      %dma_start3A_105 = tpu.memref_slice %arg4[%add3A_78, %dma_start3A_103, %dma_start3A_104] : memref<4096x56x128xf32, #tpu.memory_space<hbm>> -> memref<1x56x128xf32, #tpu.memory_space<hbm>>
      %dma_start3A_106 = tpu.memref_squeeze %dma_start3A_105 : memref<1x56x128xf32, #tpu.memory_space<hbm>> -> memref<56x128xf32, #tpu.memory_space<hbm>>
      tpu.enqueue_dma source(%arg9 : memref<56x128xf32, #tpu.memory_space<vmem>>) target(%dma_start3A_106 : memref<56x128xf32, #tpu.memory_space<hbm>>) target_semaphore(%arg15 : memref<!tpu.dma_semaphore, #tpu.memory_space<semaphore_mem>>)
      %lt3A = arith.constant 63 : i32
      %lt3A_107 = arith.cmpi slt, %scan3A_73, %lt3A : i32
      %convert_element_type3A_108 = arith.extui %lt3A_107 : i1 to i32
      %cond3A_109 = arith.constant 0 : i32
      %cond3A_110 = arith.cmpi ne, %convert_element_type3A_108, %cond3A_109 : i32
      scf.if %cond3A_110 {
        %add3A_153 = arith.constant 2 : i32
        %add3A_154 = arith.addi %add3A_78, %add3A_153 : i32
        %dma_start3A_155 = arith.constant 0 : i32
        %dma_start3A_156 = arith.constant 0 : i32
        %dma_start3A_157 = tpu.memref_slice %arg2[%add3A_154, %dma_start3A_155, %dma_start3A_156] : memref<4096x200x128xf32, #tpu.memory_space<hbm>> -> memref<1x200x128xf32, #tpu.memory_space<hbm>>
        %dma_start3A_158 = tpu.memref_squeeze %dma_start3A_157 : memref<1x200x128xf32, #tpu.memory_space<hbm>> -> memref<200x128xf32, #tpu.memory_space<hbm>>
        %dma_start3A_159 = arith.constant 0 : i32
        %dma_start3A_160 = arith.constant 0 : i32
        %dma_start3A_161 = tpu.memref_slice %arg2[%add3A_154, %dma_start3A_159, %dma_start3A_160] : memref<4096x200x128xf32, #tpu.memory_space<hbm>> -> memref<1x200x128xf32, #tpu.memory_space<hbm>>
        %dma_start3A_162 = tpu.memref_squeeze %dma_start3A_161 : memref<1x200x128xf32, #tpu.memory_space<hbm>> -> memref<200x128xf32, #tpu.memory_space<hbm>>
        tpu.enqueue_dma source(%dma_start3A_162 : memref<200x128xf32, #tpu.memory_space<hbm>>) target(%arg5 : memref<200x128xf32, #tpu.memory_space<vmem>>) target_semaphore(%arg11 : memref<!tpu.dma_semaphore, #tpu.memory_space<semaphore_mem>>)
        %add3A_163 = arith.constant 2 : i32
        %add3A_164 = arith.addi %add3A_78, %add3A_163 : i32
        %dma_start3A_165 = arith.constant 0 : i32
        %dma_start3A_166 = arith.constant 0 : i32
        %dma_start3A_167 = tpu.memref_slice %arg3[%add3A_164, %dma_start3A_165, %dma_start3A_166] : memref<4096x50x128xi32, #tpu.memory_space<hbm>> -> memref<1x50x128xi32, #tpu.memory_space<hbm>>
        %dma_start3A_168 = tpu.memref_squeeze %dma_start3A_167 : memref<1x50x128xi32, #tpu.memory_space<hbm>> -> memref<50x128xi32, #tpu.memory_space<hbm>>
        %dma_start3A_169 = arith.constant 0 : i32
        %dma_start3A_170 = arith.constant 0 : i32
        %dma_start3A_171 = tpu.memref_slice %arg3[%add3A_164, %dma_start3A_169, %dma_start3A_170] : memref<4096x50x128xi32, #tpu.memory_space<hbm>> -> memref<1x50x128xi32, #tpu.memory_space<hbm>>
        %dma_start3A_172 = tpu.memref_squeeze %dma_start3A_171 : memref<1x50x128xi32, #tpu.memory_space<hbm>> -> memref<50x128xi32, #tpu.memory_space<hbm>>
        tpu.enqueue_dma source(%dma_start3A_172 : memref<50x128xi32, #tpu.memory_space<hbm>>) target(%arg7 : memref<50x128xi32, #tpu.memory_space<vmem>>) target_semaphore(%arg13 : memref<!tpu.dma_semaphore, #tpu.memory_space<semaphore_mem>>)
      } else {
      }
      %mul3A_111 = arith.constant 2 : i32
      %mul3A_112 = arith.muli %mul3A_111, %scan3A_73 : i32
      %add3A_113 = arith.addi %mul3A_2, %mul3A_112 : i32
      %add3A_114 = arith.constant 1 : i32
      %add3A_115 = arith.addi %add3A_113, %add3A_114 : i32
      %dma_wait3A_116 = arith.constant 0 : i32
      %dma_wait3A_117 = arith.constant 0 : i32
      %dma_wait3A_118 = tpu.memref_slice %arg2[%add3A_115, %dma_wait3A_116, %dma_wait3A_117] : memref<4096x200x128xf32, #tpu.memory_space<hbm>> -> memref<1x200x128xf32, #tpu.memory_space<hbm>>
      %dma_wait3A_119 = tpu.memref_squeeze %dma_wait3A_118 : memref<1x200x128xf32, #tpu.memory_space<hbm>> -> memref<200x128xf32, #tpu.memory_space<hbm>>
      %dma_wait3A_120 = arith.constant 0 : i32
      %dma_wait3A_121 = arith.constant 0 : i32
      %dma_wait3A_122 = tpu.memref_slice %arg2[%add3A_115, %dma_wait3A_120, %dma_wait3A_121] : memref<4096x200x128xf32, #tpu.memory_space<hbm>> -> memref<1x200x128xf32, #tpu.memory_space<hbm>>
      %dma_wait3A_123 = tpu.memref_squeeze %dma_wait3A_122 : memref<1x200x128xf32, #tpu.memory_space<hbm>> -> memref<200x128xf32, #tpu.memory_space<hbm>>
      tpu.wait_dma2 semaphore(%arg12 : memref<!tpu.dma_semaphore, #tpu.memory_space<semaphore_mem>>) src(%dma_wait3A_123 : memref<200x128xf32, #tpu.memory_space<hbm>>) dst(%arg6 : memref<200x128xf32, #tpu.memory_space<vmem>>)
      %dma_wait3A_124 = arith.constant 0 : i32
      %dma_wait3A_125 = arith.constant 0 : i32
      %dma_wait3A_126 = tpu.memref_slice %arg3[%add3A_115, %dma_wait3A_124, %dma_wait3A_125] : memref<4096x50x128xi32, #tpu.memory_space<hbm>> -> memref<1x50x128xi32, #tpu.memory_space<hbm>>
      %dma_wait3A_127 = tpu.memref_squeeze %dma_wait3A_126 : memref<1x50x128xi32, #tpu.memory_space<hbm>> -> memref<50x128xi32, #tpu.memory_space<hbm>>
      %dma_wait3A_128 = arith.constant 0 : i32
      %dma_wait3A_129 = arith.constant 0 : i32
      %dma_wait3A_130 = tpu.memref_slice %arg3[%add3A_115, %dma_wait3A_128, %dma_wait3A_129] : memref<4096x50x128xi32, #tpu.memory_space<hbm>> -> memref<1x50x128xi32, #tpu.memory_space<hbm>>
      %dma_wait3A_131 = tpu.memref_squeeze %dma_wait3A_130 : memref<1x50x128xi32, #tpu.memory_space<hbm>> -> memref<50x128xi32, #tpu.memory_space<hbm>>
      tpu.wait_dma2 semaphore(%arg14 : memref<!tpu.dma_semaphore, #tpu.memory_space<semaphore_mem>>) src(%dma_wait3A_131 : memref<50x128xi32, #tpu.memory_space<hbm>>) dst(%arg8 : memref<50x128xi32, #tpu.memory_space<vmem>>)
      %gt3A_132 = arith.constant 0 : i32
      %gt3A_133 = arith.cmpi sgt, %scan3A_73, %gt3A_132 : i32
      %convert_element_type3A_134 = arith.extui %gt3A_133 : i1 to i32
      %cond3A_135 = arith.constant 0 : i32
      %cond3A_136 = arith.cmpi ne, %convert_element_type3A_134, %cond3A_135 : i32
      scf.if %cond3A_136 {
        %sub3A_153 = arith.constant 2 : i32
        %sub3A_154 = arith.subi %add3A_115, %sub3A_153 : i32
        %dma_wait3A_155 = arith.constant 0 : i32
        %dma_wait3A_156 = arith.constant 0 : i32
        %dma_wait3A_157 = tpu.memref_slice %arg4[%sub3A_154, %dma_wait3A_155, %dma_wait3A_156] : memref<4096x56x128xf32, #tpu.memory_space<hbm>> -> memref<1x56x128xf32, #tpu.memory_space<hbm>>
        %dma_wait3A_158 = tpu.memref_squeeze %dma_wait3A_157 : memref<1x56x128xf32, #tpu.memory_space<hbm>> -> memref<56x128xf32, #tpu.memory_space<hbm>>
        %dma_wait3A_159 = arith.constant 0 : i32
        %dma_wait3A_160 = arith.constant 0 : i32
        %dma_wait3A_161 = tpu.memref_slice %arg4[%sub3A_154, %dma_wait3A_159, %dma_wait3A_160] : memref<4096x56x128xf32, #tpu.memory_space<hbm>> -> memref<1x56x128xf32, #tpu.memory_space<hbm>>
        %dma_wait3A_162 = tpu.memref_squeeze %dma_wait3A_161 : memref<1x56x128xf32, #tpu.memory_space<hbm>> -> memref<56x128xf32, #tpu.memory_space<hbm>>
        tpu.wait_dma2 semaphore(%arg16 : memref<!tpu.dma_semaphore, #tpu.memory_space<semaphore_mem>>) src(%arg10 : memref<56x128xf32, #tpu.memory_space<vmem>>) dst(%dma_wait3A_162 : memref<56x128xf32, #tpu.memory_space<hbm>>)
      } else {
      }
      %parallel_loop3A_137 = arith.constant 0 : i32
      %parallel_loop3A_138 = arith.constant 400 : i32
      %parallel_loop3A_139 = arith.constant 1 : i32
      scf.for %parallel_loop3A_153 = %parallel_loop3A_137 to %parallel_loop3A_138 step %parallel_loop3A_139  : i32 {
        %parallel_loop3A_154 = arith.constant 8 : i32
        %parallel_loop3A_155 = arith.divsi %parallel_loop3A_153, %parallel_loop3A_154 : i32
        %parallel_loop3A_156 = arith.constant 0 : i32
        %parallel_loop3A_157 = arith.cmpi sgt, %parallel_loop3A_153, %parallel_loop3A_156 : i32
        %parallel_loop3A_158 = arith.extui %parallel_loop3A_157 : i1 to i32
        %parallel_loop3A_159 = arith.constant 0 : i32
        %parallel_loop3A_160 = arith.cmpi slt, %parallel_loop3A_153, %parallel_loop3A_159 : i32
        %parallel_loop3A_161 = arith.extui %parallel_loop3A_160 : i1 to i32
        %parallel_loop3A_162 = arith.subi %parallel_loop3A_158, %parallel_loop3A_161 : i32
        %parallel_loop3A_163 = arith.constant 0 : i32
        %parallel_loop3A_164 = arith.cmpi sgt, %parallel_loop3A_154, %parallel_loop3A_163 : i32
        %parallel_loop3A_165 = arith.extui %parallel_loop3A_164 : i1 to i32
        %parallel_loop3A_166 = arith.constant 0 : i32
        %parallel_loop3A_167 = arith.cmpi slt, %parallel_loop3A_154, %parallel_loop3A_166 : i32
        %parallel_loop3A_168 = arith.extui %parallel_loop3A_167 : i1 to i32
        %parallel_loop3A_169 = arith.subi %parallel_loop3A_165, %parallel_loop3A_168 : i32
        %parallel_loop3A_170 = arith.cmpi ne, %parallel_loop3A_162, %parallel_loop3A_169 : i32
        %parallel_loop3A_171 = arith.remsi %parallel_loop3A_153, %parallel_loop3A_154 : i32
        %parallel_loop3A_172 = arith.constant 0 : i32
        %parallel_loop3A_173 = arith.cmpi ne, %parallel_loop3A_171, %parallel_loop3A_172 : i32
        %parallel_loop3A_174 = arith.andi %parallel_loop3A_170, %parallel_loop3A_173 : i1
        %parallel_loop3A_175 = arith.constant 1 : i32
        %parallel_loop3A_176 = arith.subi %parallel_loop3A_155, %parallel_loop3A_175 : i32
        %parallel_loop3A_177 = arith.select %parallel_loop3A_174, %parallel_loop3A_176, %parallel_loop3A_155 : i32
        %parallel_loop3A_178 = arith.constant 8 : i32
        %parallel_loop3A_179 = arith.constant 0 : i32
        %parallel_loop3A_180 = arith.cmpi eq, %parallel_loop3A_178, %parallel_loop3A_179 : i32
        %parallel_loop3A_181 = arith.constant 1 : i32
        %parallel_loop3A_182 = arith.select %parallel_loop3A_180, %parallel_loop3A_181, %parallel_loop3A_178 : i32
        %parallel_loop3A_183 = arith.remsi %parallel_loop3A_153, %parallel_loop3A_182 : i32
        %parallel_loop3A_184 = arith.constant 0 : i32
        %parallel_loop3A_185 = arith.cmpi ne, %parallel_loop3A_183, %parallel_loop3A_184 : i32
        %parallel_loop3A_186 = arith.constant 0 : i32
        %parallel_loop3A_187 = arith.cmpi slt, %parallel_loop3A_183, %parallel_loop3A_186 : i32
        %parallel_loop3A_188 = arith.constant 0 : i32
        %parallel_loop3A_189 = arith.cmpi slt, %parallel_loop3A_182, %parallel_loop3A_188 : i32
        %parallel_loop3A_190 = arith.xori %parallel_loop3A_187, %parallel_loop3A_189 : i1
        %parallel_loop3A_191 = arith.andi %parallel_loop3A_190, %parallel_loop3A_185 : i1
        %parallel_loop3A_192 = arith.addi %parallel_loop3A_183, %parallel_loop3A_182 : i32
        %parallel_loop3A_193 = arith.select %parallel_loop3A_191, %parallel_loop3A_192, %parallel_loop3A_183 : i32
        %parallel_loop3A_194 = arith.constant 16 : i32
        %parallel_loop3A_195 = arith.muli %parallel_loop3A_193, %parallel_loop3A_194 : i32
        %parallel_loop3A_196 = arith.index_cast %parallel_loop3A_177 : i32 to index
        %parallel_loop3A_197 = arith.index_cast %parallel_loop3A_195 : i32 to index
        %parallel_loop3A_198 = tpu.vector_load %arg8[%parallel_loop3A_196, %parallel_loop3A_197] {strides = array<i32>} : memref<50x128xi32, #tpu.memory_space<vmem>>, vector<16xi32>,
        %parallel_loop3A_199 = vector.broadcast %parallel_loop3A_195 : i32 to vector<16xi32>
        %parallel_loop3A_200 = arith.addi %parallel_loop3A_199, %iota3A : vector<16xi32>
        %parallel_loop3A_201 = tpu.vector_load_idx %arg6[%parallel_loop3A_198, %parallel_loop3A_200] : memref<200x128xf32, #tpu.memory_space<vmem>>[vector<16xi32>, vector<16xi32>], vector<16xf32>,
        %parallel_loop3A_202 = arith.index_cast %parallel_loop3A_177 : i32 to index
        %parallel_loop3A_203 = arith.index_cast %parallel_loop3A_195 : i32 to index
        %parallel_loop3A_204 = tpu.vector_load %arg10[%parallel_loop3A_202, %parallel_loop3A_203] {strides = array<i32>} : memref<56x128xf32, #tpu.memory_space<vmem>>, vector<16xf32>,
        tpu.vector_store %arg10[%parallel_loop3A_202, %parallel_loop3A_203], %parallel_loop3A_201 {strides = array<i32>} : memref<56x128xf32, #tpu.memory_space<vmem>>, vector<16xf32>,
      } {sc.loop_unroll_factor = 8 : i64, sc.parallel_access}
      %dma_start3A_140 = arith.constant 0 : i32
      %dma_start3A_141 = arith.constant 0 : i32
      %dma_start3A_142 = tpu.memref_slice %arg4[%add3A_115, %dma_start3A_140, %dma_start3A_141] : memref<4096x56x128xf32, #tpu.memory_space<hbm>> -> memref<1x56x128xf32, #tpu.memory_space<hbm>>
      %dma_start3A_143 = tpu.memref_squeeze %dma_start3A_142 : memref<1x56x128xf32, #tpu.memory_space<hbm>> -> memref<56x128xf32, #tpu.memory_space<hbm>>
      %dma_start3A_144 = arith.constant 0 : i32
      %dma_start3A_145 = arith.constant 0 : i32
      %dma_start3A_146 = tpu.memref_slice %arg4[%add3A_115, %dma_start3A_144, %dma_start3A_145] : memref<4096x56x128xf32, #tpu.memory_space<hbm>> -> memref<1x56x128xf32, #tpu.memory_space<hbm>>
      %dma_start3A_147 = tpu.memref_squeeze %dma_start3A_146 : memref<1x56x128xf32, #tpu.memory_space<hbm>> -> memref<56x128xf32, #tpu.memory_space<hbm>>
      tpu.enqueue_dma source(%arg10 : memref<56x128xf32, #tpu.memory_space<vmem>>) target(%dma_start3A_147 : memref<56x128xf32, #tpu.memory_space<hbm>>) target_semaphore(%arg16 : memref<!tpu.dma_semaphore, #tpu.memory_space<semaphore_mem>>)
      %lt3A_148 = arith.constant 63 : i32
      %lt3A_149 = arith.cmpi slt, %scan3A_73, %lt3A_148 : i32
      %convert_element_type3A_150 = arith.extui %lt3A_149 : i1 to i32
      %cond3A_151 = arith.constant 0 : i32
      %cond3A_152 = arith.cmpi ne, %convert_element_type3A_150, %cond3A_151 : i32
      scf.if %cond3A_152 {
        %add3A_153 = arith.constant 2 : i32
        %add3A_154 = arith.addi %add3A_115, %add3A_153 : i32
        %dma_start3A_155 = arith.constant 0 : i32
        %dma_start3A_156 = arith.constant 0 : i32
        %dma_start3A_157 = tpu.memref_slice %arg2[%add3A_154, %dma_start3A_155, %dma_start3A_156] : memref<4096x200x128xf32, #tpu.memory_space<hbm>> -> memref<1x200x128xf32, #tpu.memory_space<hbm>>
        %dma_start3A_158 = tpu.memref_squeeze %dma_start3A_157 : memref<1x200x128xf32, #tpu.memory_space<hbm>> -> memref<200x128xf32, #tpu.memory_space<hbm>>
        %dma_start3A_159 = arith.constant 0 : i32
        %dma_start3A_160 = arith.constant 0 : i32
        %dma_start3A_161 = tpu.memref_slice %arg2[%add3A_154, %dma_start3A_159, %dma_start3A_160] : memref<4096x200x128xf32, #tpu.memory_space<hbm>> -> memref<1x200x128xf32, #tpu.memory_space<hbm>>
        %dma_start3A_162 = tpu.memref_squeeze %dma_start3A_161 : memref<1x200x128xf32, #tpu.memory_space<hbm>> -> memref<200x128xf32, #tpu.memory_space<hbm>>
        tpu.enqueue_dma source(%dma_start3A_162 : memref<200x128xf32, #tpu.memory_space<hbm>>) target(%arg6 : memref<200x128xf32, #tpu.memory_space<vmem>>) target_semaphore(%arg12 : memref<!tpu.dma_semaphore, #tpu.memory_space<semaphore_mem>>)
        %add3A_163 = arith.constant 2 : i32
        %add3A_164 = arith.addi %add3A_115, %add3A_163 : i32
        %dma_start3A_165 = arith.constant 0 : i32
        %dma_start3A_166 = arith.constant 0 : i32
        %dma_start3A_167 = tpu.memref_slice %arg3[%add3A_164, %dma_start3A_165, %dma_start3A_166] : memref<4096x50x128xi32, #tpu.memory_space<hbm>> -> memref<1x50x128xi32, #tpu.memory_space<hbm>>
        %dma_start3A_168 = tpu.memref_squeeze %dma_start3A_167 : memref<1x50x128xi32, #tpu.memory_space<hbm>> -> memref<50x128xi32, #tpu.memory_space<hbm>>
        %dma_start3A_169 = arith.constant 0 : i32
        %dma_start3A_170 = arith.constant 0 : i32
        %dma_start3A_171 = tpu.memref_slice %arg3[%add3A_164, %dma_start3A_169, %dma_start3A_170] : memref<4096x50x128xi32, #tpu.memory_space<hbm>> -> memref<1x50x128xi32, #tpu.memory_space<hbm>>
        %dma_start3A_172 = tpu.memref_squeeze %dma_start3A_171 : memref<1x50x128xi32, #tpu.memory_space<hbm>> -> memref<50x128xi32, #tpu.memory_space<hbm>>
        tpu.enqueue_dma source(%dma_start3A_172 : memref<50x128xi32, #tpu.memory_space<hbm>>) target(%arg8 : memref<50x128xi32, #tpu.memory_space<vmem>>) target_semaphore(%arg14 : memref<!tpu.dma_semaphore, #tpu.memory_space<semaphore_mem>>)
      } else {
      }
    }
    %scan3A_46 = arith.constant 64 : i32
    %add3A_47 = arith.constant 128 : i32
    %add3A_48 = arith.addi %mul3A_2, %add3A_47 : i32
    %sub3A = arith.constant 2 : i32
    %sub3A_49 = arith.subi %add3A_48, %sub3A : i32
    %add3A_50 = arith.constant 0 : i32
    %add3A_51 = arith.addi %sub3A_49, %add3A_50 : i32
    %dma_wait3A = arith.constant 0 : i32
    %dma_wait3A_52 = arith.constant 0 : i32
    %dma_wait3A_53 = tpu.memref_slice %arg4[%add3A_51, %dma_wait3A, %dma_wait3A_52] : memref<4096x56x128xf32, #tpu.memory_space<hbm>> -> memref<1x56x128xf32, #tpu.memory_space<hbm>>
    %dma_wait3A_54 = tpu.memref_squeeze %dma_wait3A_53 : memref<1x56x128xf32, #tpu.memory_space<hbm>> -> memref<56x128xf32, #tpu.memory_space<hbm>>
    %dma_wait3A_55 = arith.constant 0 : i32
    %dma_wait3A_56 = arith.constant 0 : i32
    %dma_wait3A_57 = tpu.memref_slice %arg4[%add3A_51, %dma_wait3A_55, %dma_wait3A_56] : memref<4096x56x128xf32, #tpu.memory_space<hbm>> -> memref<1x56x128xf32, #tpu.memory_space<hbm>>
    %dma_wait3A_58 = tpu.memref_squeeze %dma_wait3A_57 : memref<1x56x128xf32, #tpu.memory_space<hbm>> -> memref<56x128xf32, #tpu.memory_space<hbm>>
    tpu.wait_dma2 semaphore(%arg15 : memref<!tpu.dma_semaphore, #tpu.memory_space<semaphore_mem>>) src(%arg9 : memref<56x128xf32, #tpu.memory_space<vmem>>) dst(%dma_wait3A_58 : memref<56x128xf32, #tpu.memory_space<hbm>>)
    %add3A_59 = arith.constant 128 : i32
    %add3A_60 = arith.addi %mul3A_2, %add3A_59 : i32
    %sub3A_61 = arith.constant 2 : i32
    %sub3A_62 = arith.subi %add3A_60, %sub3A_61 : i32
    %add3A_63 = arith.constant 1 : i32
    %add3A_64 = arith.addi %sub3A_62, %add3A_63 : i32
    %dma_wait3A_65 = arith.constant 0 : i32
    %dma_wait3A_66 = arith.constant 0 : i32
    %dma_wait3A_67 = tpu.memref_slice %arg4[%add3A_64, %dma_wait3A_65, %dma_wait3A_66] : memref<4096x56x128xf32, #tpu.memory_space<hbm>> -> memref<1x56x128xf32, #tpu.memory_space<hbm>>
    %dma_wait3A_68 = tpu.memref_squeeze %dma_wait3A_67 : memref<1x56x128xf32, #tpu.memory_space<hbm>> -> memref<56x128xf32, #tpu.memory_space<hbm>>
    %dma_wait3A_69 = arith.constant 0 : i32
    %dma_wait3A_70 = arith.constant 0 : i32
    %dma_wait3A_71 = tpu.memref_slice %arg4[%add3A_64, %dma_wait3A_69, %dma_wait3A_70] : memref<4096x56x128xf32, #tpu.memory_space<hbm>> -> memref<1x56x128xf32, #tpu.memory_space<hbm>>
    %dma_wait3A_72 = tpu.memref_squeeze %dma_wait3A_71 : memref<1x56x128xf32, #tpu.memory_space<hbm>> -> memref<56x128xf32, #tpu.memory_space<hbm>>
    tpu.wait_dma2 semaphore(%arg16 : memref<!tpu.dma_semaphore, #tpu.memory_space<semaphore_mem>>) src(%arg10 : memref<56x128xf32, #tpu.memory_space<vmem>>) dst(%dma_wait3A_72 : memref<56x128xf32, #tpu.memory_space<hbm>>)
    return
  }
}

</mosaic_0001>

<sc_bundles>
// kernel: _gather_sc.3.cloned.1.call-start
scs
__scs_entry_jumppad:
0x0: {  	(pc) =	sbr.rel $0x88, $3  }
0x1: {  	(tag) =	ssettag $0x0;
	lr =	simm.s32 $0x1  }
0x2: {  	[smem:$0x3F9F] =	sst lr;
	_ =	strace $0xD0000000  }
0x3: {  	_ = 	snop  }
0x4: {  	_ = 	snop  }
0x5: {  	_ = 	snop  }
0x6: {  	_ = 	snop  }
0x7: {  	_ = 	snop  }
__scs_overlays_trampoline_lowered:
0x8: {  	[smem:$0x3FAE] =	sst s0  }
0x9: {  	[smem:$0x3FAF] =	sst s1  }
0xa: {  	[smem:$0x3FB0] =	sst s2  }
0xb: {  	[smem:$0x3FB1] =	sst s3  }
0xc: {  	[smem:$0x3FB2] =	sst s4  }
0xd: {  	[smem:$0x3FB3] =	sst s5  }
0xe: {  	[smem:$0x3FB4] =	sst s6  }
0xf: {  	[smem:$0x3FB5] =	sst s7  }
0x10: {  	[smem:$0x3FB6] =	sst s8  }
0x11: {  	[smem:$0x3FB7] =	sst s9;
	s0 =	simm.s32 @!p0 $0x0  }
0x12: {  	s1 =	sld [smem:$0x3F9D];
	s0 =	simm.s32 @p0 $0x1  }
0x13: {  	[smem:$0x3FB8] =	sst s0;
	s0 =	simm.s32 @!p1 $0x0  }
0x14: {  	s2 =	sld [smem:$0x3F9C];
	s0 =	simm.s32 @p1 $0x1  }
0x15: {  	[smem:$0x3FB9] =	sst s0;
	s0 =	simm.s32 @!p2 $0x0  }
0x16: {  	s3 =	sld [smem:$0x3FDB];
	s0 =	simm.s32 @p2 $0x1  }
0x17: {  	s4 =	simm.s32 $0x1BF5;
	[smem:$0x3FBB] =	sst s0  }
0x18: {  	s0 =	sld [smem:$0x3F9E];
	_ =	swait.ge [sflag:s4], $0x0  }
0x19: {  	s7 =	sld [smem:$0x3F9F]  }
0x1a: {  	s8 =	sadd.s32 $0xFFFFE003, lr  }
0x1b: {  	s9 =	sadd.s32 $0xFFFFFEF7, lr;
	s5 =	simm.s32 $0xFFFFFFFF;
	p2 =	slt.u32 s8, $0xFFFFF086  }
0x1c: {  	p1 =	slt.u32 s9, $0xF7A;
	s5 =	simm.s32 @!p2 $0x0  }
0x1d: {  	s5 =	simm.s32 @p1 $0x1;
	p0 =	seq.s32 s7, s2  }
0x1e: {  	s7 =	smul.u32 @!p0 $0xF7A, s2;
	p2 =	seq.s32 @!p0 s5, $0x0  }
0x1f: {  	s9 =	smul.u32 $0xF7A, s1;
	s8 =	simm.s32 @!p0 $0x1BF5;
	p2 =	por !p2, p0  }
0x20: {  	[sflag:s8] =	ssyncset.s32 @!p0 $0xFFFFF086;
	s6 =	sadd.s32 @!p0 s3, s7;
	s7 =	simm.s32 @!p0 $0x108  }
0x21: {  	s3 =	sadd.s32 s3, s9;
	s6 =	sadd.s32 @!p0 $0x88, s6;
	s7 =	simm.s32 @p2 $0x1082  }
0x22: {  	[simem:s7], [sflag:s8] =	dma.local @!p0 [hbm:s6], $0xF7A  }
0x23: {  	s9 =	sor.u32 $0xD0000000, s2;
	s6 =	simm.s32 $0x108;
	_ =	swait.ge @!p0 [sflag:s8], $0x0  }
0x24: {  	s3 =	sadd.s32 $0x88, s3;
	s6 =	simm.s32 @!p1 $0x1082;
	[sflag:s4] =	ssyncset.s32 $0xFFFFF086  }
0x25: {  	[simem:s6], [sflag:s4] =	dma.local [hbm:s3], $0xF7A  }
0x26: {  	[smem:$0x3F9F] =	sst s1;
	(tag) =	ssettag s2;
	_ =	strace s9  }
0x27: {  	s1 =	sld [smem:$0x3FAF]  }
0x28: {  	s2 =	sld [smem:$0x3FB0]  }
0x29: {  	s4 =	sld [smem:$0x3FB2]  }
0x2a: {  	p0 =	seq.s32 s5, $0x0;
	s5 =	sld [smem:$0x3FB3]  }
0x2b: {  	s6 =	sld [smem:$0x3FB4]  }
0x2c: {  	s7 =	sld [smem:$0x3FB5]  }
0x2d: {  	s3 =	simm.s32 $0x108;
	s8 =	sld [smem:$0x3FB6]  }
0x2e: {  	s3 =	simm.s32 @!p0 $0x1082;
	s9 =	sld [smem:$0x3FB7]  }
0x2f: {  	lr =	sadd.s32 s0, s3;
	s0 =	sld [smem:$0x3FAE]  }
0x30: {  	s3 =	sld [smem:$0x3FB1]  }
0x31: {  	[smem:$0x3FBA] =	sst s10  }
0x32: {  	s10 =	sld [smem:$0x3FB8];
	_ =	sdelay $0x3  }
0x33: {  	p0 =	seq.s32 s10, $0x1;
	s10 =	sld [smem:$0x3FBA];
	_ =	sdelay $0x3  }
0x34: {  	[smem:$0x3FBA] =	sst s10  }
0x35: {  	s10 =	sld [smem:$0x3FB9];
	_ =	sdelay $0x3  }
0x36: {  	p1 =	seq.s32 s10, $0x1;
	s10 =	sld [smem:$0x3FBA];
	_ =	sdelay $0x3  }
0x37: {  	[smem:$0x3FBA] =	sst s10  }
0x38: {  	s10 =	sld [smem:$0x3FBB]  }
0x39: {  	_ = 	snop;
	(pc) =	sbr.ind lr, $3  }
0x3a: {  	_ = 	snop  }
0x3b: {  	_ = 	snop  }
0x3c: {  	p2 =	seq.s32 s10, $0x1;
	s10 =	sld [smem:$0x3FBA]  }
0x3d: {  	_ =	shalt  }
0x3e: {  	_ =	shalt  }
0x3f: {  	_ =	shalt  }
0x40: {  	_ =	shalt  }
0x41: {  	_ =	shalt  }
0x42: {  	_ =	shalt  }
0x43: {  	_ =	shalt  }
0x44: {  	_ =	shalt  }
0x45: {  	_ =	shalt  }
0x46: {  	_ =	shalt  }
0x47: {  	_ =	shalt  }
0x48: {  	_ =	shalt  }
0x49: {  	_ =	shalt  }
0x4a: {  	_ =	shalt  }
0x4b: {  	_ =	shalt  }
0x4c: {  	_ =	shalt  }
0x4d: {  	_ =	shalt  }
0x4e: {  	_ =	shalt  }
0x4f: {  	_ =	shalt  }
0x50: {  	_ =	shalt  }
0x51: {  	_ =	shalt  }
0x52: {  	_ =	shalt  }
0x53: {  	_ =	shalt  }
0x54: {  	_ =	shalt  }
0x55: {  	_ =	shalt  }
0x56: {  	_ =	shalt  }
0x57: {  	_ =	shalt  }
0x58: {  	_ =	shalt  }
0x59: {  	_ =	shalt  }
0x5a: {  	_ =	shalt  }
0x5b: {  	_ =	shalt  }
0x5c: {  	_ =	shalt  }
0x5d: {  	_ =	shalt  }
0x5e: {  	_ =	shalt  }
0x5f: {  	_ =	shalt  }
0x60: {  	_ =	shalt  }
0x61: {  	_ =	shalt  }
0x62: {  	_ =	shalt  }
0x63: {  	_ =	shalt  }
0x64: {  	_ =	shalt  }
0x65: {  	_ =	shalt  }
0x66: {  	_ =	shalt  }
0x67: {  	_ =	shalt  }
0x68: {  	_ =	shalt  }
0x69: {  	_ =	shalt  }
0x6a: {  	_ =	shalt  }
0x6b: {  	_ =	shalt  }
0x6c: {  	_ =	shalt  }
0x6d: {  	_ =	shalt  }
0x6e: {  	_ =	shalt  }
0x6f: {  	_ =	shalt  }
0x70: {  	_ =	shalt  }
0x71: {  	_ =	shalt  }
0x72: {  	_ =	shalt  }
0x73: {  	_ =	shalt  }
0x74: {  	_ =	shalt  }
0x75: {  	_ =	shalt  }
0x76: {  	_ =	shalt  }
0x77: {  	_ =	shalt  }
0x78: {  	_ =	shalt  }
0x79: {  	_ =	shalt  }
0x7a: {  	_ =	shalt  }
0x7b: {  	_ =	shalt  }
0x7c: {  	_ =	shalt  }
0x7d: {  	_ =	shalt  }
0x7e: {  	_ =	shalt  }
0x7f: {  	_ =	shalt  }
0x80: {  	_ =	shalt  }
0x81: {  	_ =	shalt  }
0x82: {  	_ =	shalt  }
0x83: {  	_ =	shalt  }
0x84: {  	_ =	shalt  }
0x85: {  	_ =	shalt  }
0x86: {  	_ =	shalt  }
0x87: {  	_ =	shalt  }
.Lfunc_end0:
.L_simem_size_0:
called_computation.1_lowered:
.L_overlay_start_0:
0x88: {  	s2 =	sld [smem:$0x3FD9]  }
0x89: {  	s3 =	sld [smem:$0x3FFE];
	_ =	sdelay $0x1  }
0x8a: {  	s1 =	srdreg.scid  }
0x8b: {  	s0 =	sand.u32 $0x1, s1  }
0x8c: {  	s17 =	sshll.u32 s0, $0xA;
	s2 =	sadd.s32 s3, s2  }
0x8d: {  	s2 =	sadd.s32 s2, s17  }
0x8e: {  	[smem:$0x3FC6] =	sst s2  }
0x8f: {  	_ = 	snop  }
0x90: {  	s2 =	sld [smem:$0x3FC9];
	(tm) =	ssettm $0x1  }
0x91: {  	s18 =	sld [smem:$0x3FFB];
	_ =	sdelay $0x3  }
0x92: {  	_ =	strace s18  }
0x93: {  	s3 =	sld [smem:$0x3FFC];
	_ =	sdelay $0x3  }
0x94: {  	_ =	strace s3  }
0x95: {  	s3 =	sld [smem:$0x3FFD];
	_ =	sdelay $0x3  }
0x96: {  	_ =	strace s3  }
0x97: {  	_ =	strace $0x8FFFFFFF  }
0x98: {  	s19 =	sld [smem:$0x3FDB];
	_ =	sdelay $0x1  }
0x99: {  	s4 =	simm.s32 $_scs_section_size  }
0x9a: {  	s5 =	simm.s32 $_size__tile_overlayer_lowered;
	s6 =	simm.s32 $_tile_overlayer_lowered  }
0x9b: {  	s22 =	simm.s32 $0x1BFF;
	s21 =	sshll.u32 s6, $0x1;
	s3 =	sadd.s32 s4, s19  }
0x9c: {  	s7 =	simm.s32 $0x0;
	s20 =	sshll.u32 s5, $0x1;
	s5 =	sadd.s32 s21, s3  }
0x9d: {  	[timem:s7], [sflag:s22] =	dma.local [hbm:s5], s20  }
0x9e: {  	_ =	swait.ge [sflag:s22], s20  }
0x9f: {  	s4 =	ssub.s32 $0x0, s20;
	[sflag:s22] =	ssyncset.done $0x0  }
0xa0: {  	[sflag:s22] =	ssyncadd.s32 s4;
	_ =	sdelay $0x1  }
0xa1: {  	s23 =	simm.s32 $0x1B8B  }
0xa2: {  	_ =	swait.ge [sflag:s23], $0x1  }
0xa3: {  	[sflag:s23] =	ssyncset.done $0x0  }
0xa4: {  	s25 =	simm.s32 $0x1B8E;
	s24 =	sld [smem:$0x3FFE];
	[sflag:s23] =	ssyncadd.s32 $0xFFFFFFFF  }
0xa5: {  	s26 =	simm.s32 $execute0_lowered;
	[smem:$0x3FD2] =	sst s25  }
0xa6: {  	s5 =	sshll.u32 s26, $0x1;
	_ =	strace $0x80000046;
	[dreg:$0x1] =	wrdreg $0xFFFFFFFF  }
0xa7: {  	s28 =	simm.s32 $_size_execute0_lowered;
	s3 =	sadd.s32 s3, s5;
	[dreg:$0x0] =	wrdreg $0x0  }
0xa8: {  	s5 =	sshll.u32 s28, $0x1;
	[dreg:$0x2] =	wrdreg s3  }
0xa9: {  	[dreg:$0x3] =	wrdreg s5  }
0xaa: {  	[dreg:$0x4] =	wrdreg $0xC0  }
0xab: {  	_ =	task [dreg:s7], $0x5FFFF  }
0xac: {  	[dreg:$0x1] =	wrdreg $0xFFFFFFFF  }
0xad: {  	[dreg:$0x0] =	wrdreg $0x60  }
0xae: {  	[dreg:$0x2] =	wrdreg s2  }
0xaf: {  	[dreg:$0x3] =	wrdreg s24  }
0xb0: {  	[dreg:$0x4] =	wrdreg $0x9  }
0xb1: {  	_ =	task.clear_ibuf [dreg:s7], $0x5FFFF;
	_ =	strace $0x90000046  }
0xb2: {  	s29 =	simm.s32 $0x9;
	_ =	strace $0x80000048  }
0xb3: {  	_ =	swait.ge [sflag:s29], $0x1  }
0xb4: {  	[sflag:s29] =	ssyncadd.s32 $0xFFFFFFFF  }
0xb5: {  	_ =	strace $0x90000048  }
0xb6: {  	_ =	sfence  }
0xb7: {  	s30 =	sld [smem:$0x0];
	_ =	sdelay $0x2  }
0xb8: {  	s31 =	sshll.u32 s1, $0xD;
	s1 =	sshrl.u32 s1, $0x2  }
0xb9: {  	s3 =	sand.u32 $0x4000, s31;
	s1 =	sadd.s32 s1, s30  }
0xba: {  	s0 =	sor.u32 s3, s0;
	s1 =	sshll.u32 s1, $0x11  }
0xbb: {  	s0 =	sor.u32 s1, s0  }
0xbc: {  	s0 =	sadd.s32 $0x8F2B, s0  }
0xbd: {  	[sflag:s0] =	ssyncadd.remote.s32 $0x1  }
0xbe: {  	_ =	sfence.sel $0xFFFF  }
0xbf: {  	[dreg:$0x0] =	wrdreg $0xFFFFFFFF;
	(pc) =	sbr.abs _section_cstart, $3  }
0xc0: {  	[dreg:$0x1] =	wrdreg $0xFFFFFFFF  }
0xc1: {  	_ =	task.clear_ibuf [dreg:s7], $0x2FFFF;
	_ =	strace $0x9FFFFFFF  }
0xc2: {  	(tm) =	ssettm $0x7FFFFFFF  }
0xc3: {  	_ =	shalt  }
tec
execute0_lowered:
.L_overlay_start_1:
0x0: {  	(tag) =	ssettag $0x1  }
0x1: {  	s1 =	srdreg.scid;
	s2 =	rddreg [dreg:$0x0]  }
0x2: {  	s0 =	stileid.u32;
	s7 =	rddreg [dreg:$0x1]  }
0x3: {  	s3 =	simm.s32 $0x0;
	s13 =	simm.s32 $0x6400;
	s14 =	simm.s32 $0xE400  }
0x4: {  	s15 =	simm.s32 $0x1;
	s16 =	simm.s32 $0x3;
	s17 =	simm.s32 $0x10000  }
0x5: {  	s18 =	simm.s32 $0x2;
	s19 =	simm.s32 $0x4;
	s6 =	sand.u32 $0x1, s1  }
0x6: {  	s20 =	simm.s32 $0x11C00;
	s4 =	sshll.u32 s0, $0x8;
	s5 =	sshll.u32 s6, $0x7  }
0x7: {  	s21 =	simm.s32 $0x5;
	s22 =	simm.s32 $0x6;
	s4 =	sor.u32 s5, s4  }
0x8: {  	s23 =	simm.s32 $0x0;
	[smem:$0x7FF] =	sst s3;
	s8 =	smul.u32 $0xC80, s4  }
0x9: {  	s1 =	rddreg [dreg:$0x2];
	_ =	strace $0x80000047;
	s9 =	smul.u32 $0x380, s4  }
.Ltmp0:
0xa: {  	s11 =	ssub.s32 $0x2, s6;
	s10 =	sor.u32 $0x1, s4;
	(pc) =	sbr.rel .LBB2_1-.Ltmp0, $4  }
0xb: {  	v0 =	vlaneseq.u32;
	s6 =	sadd.s32 $0x380800, s7;
	s31 =	sshrl.u32 s11, $0x1;
	s12 =	smul.u32 $0xC80, s10  }
0xc: {  	v1 =	vor.u32 $0x10, v0;
	s5 =	sadd.s32 $0x800, s7;
	s11 =	ssub.s32 s11, s31;
	s10 =	smul.u32 $0x380, s10  }
0xd: {  	v2 =	vor.u32 $0x20, v0;
	v3 =	vor.u32 $0x30, v0;
	v4 =	vor.u32 $0x40, v0;
	s11 =	smax.u32 s11, $0x1;
	s7 =	sadd.s32 s2, s8;
	s8 =	sadd.s32 s5, s9  }
0xe: {  	v5 =	vor.u32 $0x50, v0;
	v6 =	vor.u32 $0x60, v0;
	v7 =	vor.u32 $0x70, v0;
	s9 =	sadd.s32 s2, s12;
	s10 =	sadd.s32 s5, s10;
	s12 =	simm.s32 $0xC800  }
.LBB2_8:
0xf: {  	s23 =	sadd.s32 $0x1, s23  }
0x10: {  	_ =	swait.ge [sflag:s21], $0x1C00;
	p0 =	sne.s32 s23, s11  }
.Ltmp1:
0x11: {  	[sflag:s21] =	ssyncset.done $0x0;
	(pc) =	sbr.rel @!p0 .LBB2_9-.Ltmp1, $4  }
0x12: {  	[sflag:s21] =	ssyncadd.s32 $0xFFFFE400  }
0x13: {  	_ =	swait.ge [sflag:s22], $0x1C00  }
0x14: {  	[sflag:s22] =	ssyncset.done $0x0  }
0x15: {  	[sflag:s22] =	ssyncadd.s32 $0xFFFFE400  }
.LBB2_1:
0x16: {  	[tilespmem:s3], [sflag:$0x1] =	stream.linear.gather [hbm4b:s7+s3], $0x6400, $0x38;
	[tilespmem:$0x13800] =	vst v63  }
0x17: {  	_ = 	snop  }
0x18: {  	[tilespmem:s12], [sflag:$0x3] =	stream.linear.gather [hbm4b:s8+s3], $0x1900, $0x38;
	[tilespmem:$0x13800] =	vst v63  }
0x19: {  	_ = 	snop  }
0x1a: {  	[tilespmem:s13], [sflag:$0x2] =	stream.linear.gather [hbm4b:s9+s3], $0x6400, $0x38;
	[tilespmem:$0x13800] =	vst v63  }
0x1b: {  	s24 =	simm.s32 $0x0  }
0x1c: {  	[tilespmem:s14], [sflag:$0x4] =	stream.linear.gather [hbm4b:s10+s3], $0x1900, $0x38;
	[tilespmem:$0x13800] =	vst v63  }
.LBB2_2:
0x1d: {  	_ =	swait.ge [sflag:s15], $0x6400  }
0x1e: {  	[sflag:s15] =	ssyncset.done $0x0  }
0x1f: {  	[sflag:s15] =	ssyncadd.s32 $0xFFFF9C00  }
0x20: {  	_ =	swait.ge [sflag:s16], $0x1900  }
0x21: {  	p0 =	seq.s32 s24, $0x0;
	[sflag:s16] =	ssyncset.done $0x0  }
0x22: {  	s25 =	simm.s32 @!p0 $0x5;
	[sflag:s16] =	ssyncadd.s32 $0xFFFFE700  }
0x23: {  	_ =	swait.ge @!p0 [sflag:s25], $0x1C00  }
0x24: {  	[sflag:s25] =	ssyncset.done @!p0 $0x0  }
0x25: {  	s26 =	simm.s32 $0xC840;
	[sflag:s25] =	ssyncadd.s32 @!p0 $0xFFFFE400  }
0x26: {  	v8 =	vld [tilespmem:s26+$0x30]  }
0x27: {  	v11 =	vld [tilespmem:s26+$0xFFFFFFF0]  }
0x28: {  	v12 =	vld [tilespmem:s26+$0x0]  }
0x29: {  	v9 =	vld [tilespmem:s26+$0xFFFFFFD0]  }
0x2a: {  	v10 =	vld [tilespmem:s26+$0xFFFFFFE0]  }
0x2b: {  	v13 =	vld [tilespmem:s26+$0x10]  }
0x2c: {  	v14 =	vld [tilespmem:s26+$0x20];
	v11 =	vshll.u32 v11, $0x7  }
0x2d: {  	s30 =	simm.s32 $0xC8C0;
	v15 =	vld [tilespmem:s26+$0xFFFFFFC0];
	v12 =	vshll.u32 v12, $0x7;
	v11 =	vor.u32 v3, v11  }
0x2e: {  	v18 =	vld [tilespmem:s30+$0xFFFFFFE0];
	v12 =	vor.u32 v4, v12  }
0x2f: {  	v19 =	vld [tilespmem:s30+$0xFFFFFFF0]  }
0x30: {  	v20 =	vld [tilespmem:s30+$0x0];
	v8 =	vshll.u32 v8, $0x7  }
0x31: {  	v21 =	vld [tilespmem:s30+$0x10];
	v9 =	vshll.u32 v9, $0x7;
	v8 =	vor.u32 v7, v8  }
0x32: {  	v10 =	vshll.u32 v10, $0x7;
	v9 =	vor.u32 v1, v9;
	v16 =	vld.idx.msk [tilespmem:v11+s3+$0x0], $0xffff  }
0x33: {  	v10 =	vor.u32 v2, v10;
	v17 =	vld.idx.msk [tilespmem:v12+s3+$0x0], $0xffff  }
0x34: {  	v11 =	vld [tilespmem:s30+$0x30]  }
0x35: {  	v15 =	vshll.u32 v15, $0x7;
	v12 =	vld [tilespmem:s30+$0xFFFFFFD0]  }
0x36: {  	v13 =	vshll.u32 v13, $0x7;
	v15 =	vor.u32 v0, v15;
	v8 =	vld.idx.msk [tilespmem:v8+s3+$0x0], $0xffff  }
0x37: {  	v14 =	vshll.u32 v14, $0x7;
	v13 =	vor.u32 v5, v13;
	v9 =	vld.idx.msk [tilespmem:v9+s3+$0x0], $0xffff  }
0x38: {  	v18 =	vshll.u32 v18, $0x7;
	v14 =	vor.u32 v6, v14;
	v10 =	vld.idx.msk [tilespmem:v10+s3+$0x0], $0xffff  }
0x39: {  	v22 =	vld [tilespmem:s30+$0x20];
	v18 =	vor.u32 v2, v18;
	v11 =	vshll.u32 v11, $0x7  }
0x3a: {  	v23 =	vld [tilespmem:s30+$0xFFFFFFC0];
	s26 =	simm.s32 $0x10040;
	v12 =	vshll.u32 v12, $0x7;
	v11 =	vor.u32 v7, v11  }
0x3b: {  	v19 =	vshll.u32 v19, $0x7;
	v24 =	vld.idx.msk [tilespmem:v15+s3+$0x0], $0xffff;
	[tilespmem:s26+$0x30] =	vst v8;
	v12 =	vor.u32 v1, v12  }
0x3c: {  	v15 =	vor.u32 v3, v19;
	v19 =	vld.idx.msk [tilespmem:v13+s3+$0x0], $0xffff;
	v8 =	vshll.u32 v20, $0x7;
	[tilespmem:s26+$0xFFFFFFD0] =	vst v9  }
0x3d: {  	v13 =	vld.idx.msk [tilespmem:v14+s3+$0x0], $0xffff;
	[tilespmem:s26+$0xFFFFFFE0] =	vst v10;
	v20 =	vor.u32 v4, v8  }
0x3e: {  	v14 =	vld.idx.msk [tilespmem:v18+s3+$0x0], $0xffff;
	[tilespmem:s26+$0xFFFFFFF0] =	vst v16  }
0x3f: {  	[tilespmem:s26+$0x0] =	vst v17;
	v11 =	vld.idx.msk [tilespmem:v11+s3+$0x0], $0xffff  }
0x40: {  	[tilespmem:s26+$0xFFFFFFC0] =	vst v24;
	v12 =	vld.idx.msk [tilespmem:v12+s3+$0x0], $0xffff  }
0x41: {  	s31 =	sshll.u32 s24, $0x1;
	v9 =	vshll.u32 v22, $0x7;
	v10 =	vshll.u32 v23, $0x7;
	v15 =	vld.idx.msk [tilespmem:v15+s3+$0x0], $0xffff;
	[tilespmem:s26+$0x10] =	vst v19;
	v8 =	vshll.u32 v21, $0x7  }
0x42: {  	s28 =	simm.s32 $0x8;
	s29 =	simm.s32 $0xC940;
	s25 =	sadd.s32 s4, s31;
	v9 =	vor.u32 v6, v9;
	v10 =	vor.u32 v0, v10;
	v8 =	vor.u32 v5, v8;
	v16 =	vld.idx.msk [tilespmem:v20+s3+$0x0], $0xffff  }
.LBB2_3:
0x43: {  	v17 =	vld [tilespmem:s29+$0x30];
	s28 =	sadd.s32 $0x8, s28;
	[tilespmem:s26+$0x20] =	vst v13;
	s26 =	sadd.s32 $0x80, s26  }
0x44: {  	v13 =	vld [tilespmem:s29+$0xFFFFFFD0];
	p1 =	slt.u32 s28, $0x188;
	[tilespmem:s26+$0x30] =	vst v11  }
0x45: {  	v11 =	vld [tilespmem:s29+$0xFFFFFFE0];
	[tilespmem:s26+$0xFFFFFFD0] =	vst v12  }
0x46: {  	v12 =	vld [tilespmem:s29+$0xFFFFFFF0];
	[tilespmem:s26+$0xFFFFFFE0] =	vst v14  }
0x47: {  	v14 =	vld [tilespmem:s29+$0x0];
	[tilespmem:s26+$0xFFFFFFF0] =	vst v15  }
0x48: {  	v15 =	vld [tilespmem:s29+$0x10];
	v17 =	vshll.u32 v17, $0x7;
	[tilespmem:s26+$0x0] =	vst v16  }
0x49: {  	v13 =	vshll.u32 v13, $0x7;
	v16 =	vld [tilespmem:s29+$0x20];
	v17 =	vor.u32 v7, v17  }
0x4a: {  	v18 =	vld [tilespmem:s29+$0xFFFFFFC0];
	v19 =	vor.u32 v1, v13;
	v11 =	vshll.u32 v11, $0x7  }
0x4b: {  	v20 =	vor.u32 v2, v11;
	v11 =	vshll.u32 v12, $0x7;
	v21 =	vld.idx.msk [tilespmem:v10+s3+$0x0], $0xffff  }
0x4c: {  	v22 =	vor.u32 v3, v11;
	v10 =	vshll.u32 v14, $0x7;
	v23 =	vld.idx.msk [tilespmem:v8+s3+$0x0], $0xffff  }
0x4d: {  	v24 =	vor.u32 v4, v10;
	v8 =	vshll.u32 v15, $0x7;
	v13 =	vld.idx.msk [tilespmem:v9+s3+$0x0], $0xffff  }
.Ltmp2:
0x4e: {  	v8 =	vor.u32 v5, v8;
	v9 =	vshll.u32 v16, $0x7;
	v11 =	vld.idx.msk [tilespmem:v17+s3+$0x0], $0xffff;
	(pc) =	sbr.rel @p1 .LBB2_3-.Ltmp2, $4  }
0x4f: {  	v10 =	vshll.u32 v18, $0x7;
	v12 =	vld.idx.msk [tilespmem:v19+s3+$0x0], $0xffff;
	v9 =	vor.u32 v6, v9  }
0x50: {  	v10 =	vor.u32 v0, v10;
	v14 =	vld.idx.msk [tilespmem:v20+s3+$0x0], $0xffff  }
0x51: {  	v15 =	vld.idx.msk [tilespmem:v22+s3+$0x0], $0xffff;
	[tilespmem:s26+$0xFFFFFFC0] =	vst v21  }
0x52: {  	s29 =	sadd.s32 $0x80, s29;
	v16 =	vld.idx.msk [tilespmem:v24+s3+$0x0], $0xffff;
	[tilespmem:s26+$0x10] =	vst v23  }
0x53: {  	_ =	sdelay $0x2  }
0x54: {  	[tilespmem:s26+$0x20] =	vst v13;
	s30 =	sadd.s32 $0x80, s26  }
0x55: {  	v10 =	vld.idx.msk [tilespmem:v10+s3+$0x0], $0xffff;
	[tilespmem:s30+$0x30] =	vst v11  }
0x56: {  	v8 =	vld.idx.msk [tilespmem:v8+s3+$0x0], $0xffff;
	[tilespmem:s30+$0xFFFFFFD0] =	vst v12  }
0x57: {  	v9 =	vld.idx.msk [tilespmem:v9+s3+$0x0], $0xffff;
	[tilespmem:s30+$0xFFFFFFE0] =	vst v14  }
0x58: {  	[tilespmem:s30+$0xFFFFFFF0] =	vst v15  }
0x59: {  	[tilespmem:s30+$0x0] =	vst v16  }
0x5a: {  	s28 =	smul.u32 $0x380, s25;
	p1 =	seq.s32 s24, $0x3F;
	[tilespmem:s30+$0xFFFFFFC0] =	vst v10  }
0x5b: {  	s29 =	sadd.s32 @!p1 $0x2, s25;
	[tilespmem:s30+$0x10] =	vst v8  }
0x5c: {  	s31 =	sadd.s32 s6, s28;
	s28 =	smul.u32 @!p1 $0xC80, s29;
	[tilespmem:s30+$0x20] =	vst v9  }
0x5d: {  	[hbm4b:s31+s3] =	stream.linear.scatter [tilespmem:s17], [sflag:$0x5], $0x1C00, $0x38;
	[tilespmem:$0x13800] =	vst v63  }
0x5e: {  	s29 =	smul.u32 @!p1 $0x380, s29;
	s26 =	sadd.s32 @!p1 s2, s28;
	s28 =	simm.s32 @!p1 $0x0  }
0x5f: {  	[tilespmem:s28], [sflag:$0x1] =	stream.linear.gather @!p1 [hbm4b:s26+s28], $0x6400, $0x38;
	[tilespmem:$0x13800] =	vst v63  }
0x60: {  	s26 =	sadd.s32 @!p1 s5, s29;
	s29 =	simm.s32 @!p1 $0xC800  }
0x61: {  	[tilespmem:s29], [sflag:$0x3] =	stream.linear.gather @!p1 [hbm4b:s26+s28], $0x1900, $0x38;
	[tilespmem:$0x13800] =	vst v63  }
0x62: {  	_ =	swait.ge [sflag:s18], $0x6400  }
0x63: {  	[sflag:s18] =	ssyncset.done $0x0  }
0x64: {  	[sflag:s18] =	ssyncadd.s32 $0xFFFF9C00  }
0x65: {  	_ =	swait.ge [sflag:s19], $0x1900  }
0x66: {  	[sflag:s19] =	ssyncset.done $0x0  }
0x67: {  	s26 =	simm.s32 @!p0 $0x6;
	[sflag:s19] =	ssyncadd.s32 $0xFFFFE700  }
0x68: {  	_ =	swait.ge @!p0 [sflag:s26], $0x1C00  }
0x69: {  	[sflag:s26] =	ssyncset.done @!p0 $0x0  }
0x6a: {  	s30 =	simm.s32 $0xE440;
	[sflag:s26] =	ssyncadd.s32 @!p0 $0xFFFFE400  }
0x6b: {  	v8 =	vld [tilespmem:s30+$0x30]  }
0x6c: {  	v11 =	vld [tilespmem:s30+$0xFFFFFFF0]  }
0x6d: {  	v12 =	vld [tilespmem:s30+$0x0]  }
0x6e: {  	v9 =	vld [tilespmem:s30+$0xFFFFFFD0]  }
0x6f: {  	v10 =	vld [tilespmem:s30+$0xFFFFFFE0]  }
0x70: {  	v13 =	vld [tilespmem:s30+$0x10]  }
0x71: {  	v14 =	vld [tilespmem:s30+$0x20];
	v11 =	vshll.u32 v11, $0x7  }
0x72: {  	s31 =	simm.s32 $0xE4C0;
	v15 =	vld [tilespmem:s30+$0xFFFFFFC0];
	v12 =	vshll.u32 v12, $0x7;
	v11 =	vor.u32 v3, v11  }
0x73: {  	v18 =	vld [tilespmem:s31+$0xFFFFFFE0];
	v12 =	vor.u32 v4, v12  }
0x74: {  	v19 =	vld [tilespmem:s31+$0xFFFFFFF0]  }
0x75: {  	v20 =	vld [tilespmem:s31+$0x0];
	v8 =	vshll.u32 v8, $0x7  }
0x76: {  	v21 =	vld [tilespmem:s31+$0x10];
	v9 =	vshll.u32 v9, $0x7;
	v8 =	vor.u32 v7, v8  }
0x77: {  	v10 =	vshll.u32 v10, $0x7;
	v9 =	vor.u32 v1, v9;
	v16 =	vld.idx.msk [tilespmem:v11+s13+$0x0], $0xffff  }
0x78: {  	v10 =	vor.u32 v2, v10;
	v17 =	vld.idx.msk [tilespmem:v12+s13+$0x0], $0xffff  }
0x79: {  	v11 =	vld [tilespmem:s31+$0x30]  }
0x7a: {  	v15 =	vshll.u32 v15, $0x7;
	v12 =	vld [tilespmem:s31+$0xFFFFFFD0]  }
0x7b: {  	v13 =	vshll.u32 v13, $0x7;
	v15 =	vor.u32 v0, v15;
	v8 =	vld.idx.msk [tilespmem:v8+s13+$0x0], $0xffff  }
0x7c: {  	v14 =	vshll.u32 v14, $0x7;
	v13 =	vor.u32 v5, v13;
	v9 =	vld.idx.msk [tilespmem:v9+s13+$0x0], $0xffff  }
0x7d: {  	v18 =	vshll.u32 v18, $0x7;
	v14 =	vor.u32 v6, v14;
	v10 =	vld.idx.msk [tilespmem:v10+s13+$0x0], $0xffff  }
0x7e: {  	v22 =	vld [tilespmem:s31+$0x20];
	v18 =	vor.u32 v2, v18;
	v11 =	vshll.u32 v11, $0x7  }
0x7f: {  	s26 =	simm.s32 $0x11C40;
	v23 =	vld [tilespmem:s31+$0xFFFFFFC0];
	v12 =	vshll.u32 v12, $0x7;
	v11 =	vor.u32 v7, v11  }
0x80: {  	v19 =	vshll.u32 v19, $0x7;
	v24 =	vld.idx.msk [tilespmem:v15+s13+$0x0], $0xffff;
	[tilespmem:s26+$0x30] =	vst v8;
	v12 =	vor.u32 v1, v12  }
0x81: {  	v15 =	vor.u32 v3, v19;
	v19 =	vld.idx.msk [tilespmem:v13+s13+$0x0], $0xffff;
	v8 =	vshll.u32 v20, $0x7;
	[tilespmem:s26+$0xFFFFFFD0] =	vst v9  }
0x82: {  	v13 =	vld.idx.msk [tilespmem:v14+s13+$0x0], $0xffff;
	[tilespmem:s26+$0xFFFFFFE0] =	vst v10;
	v20 =	vor.u32 v4, v8  }
0x83: {  	v14 =	vld.idx.msk [tilespmem:v18+s13+$0x0], $0xffff;
	[tilespmem:s26+$0xFFFFFFF0] =	vst v16  }
0x84: {  	[tilespmem:s26+$0x0] =	vst v17;
	v11 =	vld.idx.msk [tilespmem:v11+s13+$0x0], $0xffff  }
0x85: {  	[tilespmem:s26+$0xFFFFFFC0] =	vst v24;
	v12 =	vld.idx.msk [tilespmem:v12+s13+$0x0], $0xffff  }
0x86: {  	v9 =	vshll.u32 v22, $0x7;
	v10 =	vshll.u32 v23, $0x7;
	v15 =	vld.idx.msk [tilespmem:v15+s13+$0x0], $0xffff;
	[tilespmem:s26+$0x10] =	vst v19;
	v8 =	vshll.u32 v21, $0x7  }
0x87: {  	s28 =	simm.s32 $0x8;
	s29 =	simm.s32 $0xE540;
	v9 =	vor.u32 v6, v9;
	v10 =	vor.u32 v0, v10;
	v8 =	vor.u32 v5, v8;
	v16 =	vld.idx.msk [tilespmem:v20+s13+$0x0], $0xffff  }
.LBB2_5:
0x88: {  	v17 =	vld [tilespmem:s29+$0x30];
	s28 =	sadd.s32 $0x8, s28;
	[tilespmem:s26+$0x20] =	vst v13;
	s26 =	sadd.s32 $0x80, s26  }
0x89: {  	v13 =	vld [tilespmem:s29+$0xFFFFFFD0];
	p0 =	slt.u32 s28, $0x188;
	[tilespmem:s26+$0x30] =	vst v11  }
0x8a: {  	v11 =	vld [tilespmem:s29+$0xFFFFFFE0];
	[tilespmem:s26+$0xFFFFFFD0] =	vst v12  }
0x8b: {  	v12 =	vld [tilespmem:s29+$0xFFFFFFF0];
	[tilespmem:s26+$0xFFFFFFE0] =	vst v14  }
0x8c: {  	v14 =	vld [tilespmem:s29+$0x0];
	[tilespmem:s26+$0xFFFFFFF0] =	vst v15  }
0x8d: {  	v15 =	vld [tilespmem:s29+$0x10];
	v17 =	vshll.u32 v17, $0x7;
	[tilespmem:s26+$0x0] =	vst v16  }
0x8e: {  	v13 =	vshll.u32 v13, $0x7;
	v16 =	vld [tilespmem:s29+$0x20];
	v17 =	vor.u32 v7, v17  }
0x8f: {  	v18 =	vld [tilespmem:s29+$0xFFFFFFC0];
	v19 =	vor.u32 v1, v13;
	v11 =	vshll.u32 v11, $0x7  }
0x90: {  	v20 =	vor.u32 v2, v11;
	v11 =	vshll.u32 v12, $0x7;
	v21 =	vld.idx.msk [tilespmem:v10+s13+$0x0], $0xffff  }
0x91: {  	v22 =	vor.u32 v3, v11;
	v10 =	vshll.u32 v14, $0x7;
	v23 =	vld.idx.msk [tilespmem:v8+s13+$0x0], $0xffff  }
0x92: {  	v24 =	vor.u32 v4, v10;
	v8 =	vshll.u32 v15, $0x7;
	v13 =	vld.idx.msk [tilespmem:v9+s13+$0x0], $0xffff  }
.Ltmp3:
0x93: {  	v8 =	vor.u32 v5, v8;
	v9 =	vshll.u32 v16, $0x7;
	v11 =	vld.idx.msk [tilespmem:v17+s13+$0x0], $0xffff;
	(pc) =	sbr.rel @p0 .LBB2_5-.Ltmp3, $4  }
0x94: {  	v10 =	vshll.u32 v18, $0x7;
	v12 =	vld.idx.msk [tilespmem:v19+s13+$0x0], $0xffff;
	v9 =	vor.u32 v6, v9  }
0x95: {  	v10 =	vor.u32 v0, v10;
	v14 =	vld.idx.msk [tilespmem:v20+s13+$0x0], $0xffff  }
0x96: {  	v15 =	vld.idx.msk [tilespmem:v22+s13+$0x0], $0xffff;
	[tilespmem:s26+$0xFFFFFFC0] =	vst v21  }
0x97: {  	s29 =	sadd.s32 $0x80, s29;
	v16 =	vld.idx.msk [tilespmem:v24+s13+$0x0], $0xffff;
	[tilespmem:s26+$0x10] =	vst v23  }
0x98: {  	_ =	sdelay $0x2  }
0x99: {  	[tilespmem:s26+$0x20] =	vst v13;
	s30 =	sadd.s32 $0x80, s26  }
0x9a: {  	v10 =	vld.idx.msk [tilespmem:v10+s13+$0x0], $0xffff;
	[tilespmem:s30+$0x30] =	vst v11  }
0x9b: {  	v8 =	vld.idx.msk [tilespmem:v8+s13+$0x0], $0xffff;
	[tilespmem:s30+$0xFFFFFFD0] =	vst v12  }
0x9c: {  	v9 =	vld.idx.msk [tilespmem:v9+s13+$0x0], $0xffff;
	[tilespmem:s30+$0xFFFFFFE0] =	vst v14  }
0x9d: {  	s28 =	smul.u32 $0x1C00, s25;
	[tilespmem:s30+$0xFFFFFFF0] =	vst v15  }
.Ltmp4:
0x9e: {  	[tilespmem:s30+$0x0] =	vst v16;
	(pc) =	sbr.rel @p1 .LBB2_8-.Ltmp4, $4  }
0x9f: {  	s28 =	sshrl.u32 s28, $0x3;
	[tilespmem:s30+$0xFFFFFFC0] =	vst v10  }
0xa0: {  	s28 =	sadd.s32 s6, s28;
	[tilespmem:s30+$0x10] =	vst v8  }
0xa1: {  	s31 =	sadd.s32 $0x380, s28;
	[tilespmem:s30+$0x20] =	vst v9  }
0xa2: {  	[hbm4b:s31+s3] =	stream.linear.scatter [tilespmem:s20], [sflag:$0x6], $0x1C00, $0x38;
	[tilespmem:$0x13800] =	vst v63  }
0xa3: {  	s25 =	sadd.s32 $0x3, s25  }
0xa4: {  	s26 =	smul.u32 $0xC80, s25  }
.Ltmp5:
0xa5: {  	_ = 	snop;
	(pc) =	sbr.rel .LBB2_2-.Ltmp5, $4  }
0xa6: {  	s25 =	smul.u32 $0x380, s25;
	s26 =	sadd.s32 s2, s26  }
0xa7: {  	[tilespmem:s13], [sflag:$0x2] =	stream.linear.gather [hbm4b:s26+s3], $0x6400, $0x38;
	[tilespmem:$0x13800] =	vst v63  }
0xa8: {  	s24 =	sadd.s32 $0x1, s24;
	s25 =	sadd.s32 s5, s25  }
0xa9: {  	[tilespmem:s14], [sflag:$0x4] =	stream.linear.gather [hbm4b:s25+s3], $0x1900, $0x38;
	[tilespmem:$0x13800] =	vst v63  }
.LBB2_9:
0xaa: {  	_ =	sfence.sel $0x180000  }
0xab: {  	[bflag:$0x0] =	sbarrier.arrive $0xFFFF  }
0xac: {  	p0 =	sne.s32 s0, $0x0;
	_ =	strace $0x90000047  }
0xad: {  	s0 =	sadd.s32 @!p0 $0x100000, s1;
	[bflag:$0x2] =	sbarrier.arrive $0xFFFF  }
0xae: {  	[sflag:s0] =	ssyncadd.tile.s32 @!p0 $0x1;
	_ =	shalt  }
.Lfunc_end2:
_tile_overlayer_lowered:
.L_overlay_start_2:
0xaf: {  	(tag) =	ssettag $0x2  }
0xb0: {  	s0 =	rddreg [dreg:$0x0];
	s2 =	stileid.u32  }
0xb1: {  	s1 =	rddreg [dreg:$0x1];
	p0 =	sne.s32 s2, $0x0  }
0xb2: {  	s3 =	rddreg [dreg:$0x2];
	[bflag:$0x3] =	sbarrier.arrive $0xFFFF;
	s2 =	simm.s32 @!p0 $0x1C07  }
0xb3: {  	[timem:s3], [sflag:s2] =	dma.local @!p0 [hbm:s0], s1  }
0xb4: {  	s0 =	simm.s32 @!p0 $0x7  }
0xb5: {  	_ =	swait.ge @!p0 [sflag:s0], s1  }
0xb6: {  	s1 =	ssub.s32 @!p0 $0x0, s1;
	[sflag:s0] =	ssyncset.done @!p0 $0x0  }
0xb7: {  	[sflag:s0] =	ssyncadd.s32 @!p0 s1  }
0xb8: {  	[bflag:$0x3] =	sbarrier.arrive $0xFFFF  }
0xb9: {  	_ =	shalt  }

// kernel: sparse-core-data-format-call.cloned.1.call-start
scs
called_computation_lowered:
.L_overlay_start_0:
0x0: {  	s2 =	sld [smem:$0x3FD9]  }
0x1: {  	s3 =	sld [smem:$0x3FFE];
	_ =	sdelay $0x1  }
0x2: {  	s1 =	srdreg.scid  }
0x3: {  	s0 =	sand.u32 $0x1, s1  }
0x4: {  	s18 =	sshll.u32 s0, $0xA;
	s2 =	sadd.s32 s3, s2  }
0x5: {  	s2 =	sadd.s32 s2, s18  }
0x6: {  	[smem:$0x3FC6] =	sst s2  }
0x7: {  	_ = 	snop  }
0x8: {  	s2 =	sld [smem:$0x3FD0];
	(tm) =	ssettm $0x1  }
0x9: {  	s19 =	sld [smem:$0x3FFB];
	_ =	sdelay $0x3  }
0xa: {  	_ =	strace s19  }
0xb: {  	s3 =	sld [smem:$0x3FFC];
	_ =	sdelay $0x3  }
0xc: {  	_ =	strace s3  }
0xd: {  	s3 =	sld [smem:$0x3FFD];
	_ =	sdelay $0x3  }
0xe: {  	_ =	strace s3  }
0xf: {  	_ =	strace $0x8FFFFFFF  }
0x10: {  	s20 =	sld [smem:$0x3FDB];
	_ =	sdelay $0x1  }
0x11: {  	s4 =	simm.s32 $_scs_section_size  }
0x12: {  	s5 =	simm.s32 $_size__tile_overlayer_lowered;
	s6 =	simm.s32 $_tile_overlayer_lowered  }
0x13: {  	s23 =	simm.s32 $0x1BFF;
	s22 =	sshll.u32 s6, $0x1;
	s3 =	sadd.s32 s4, s20  }
0x14: {  	s7 =	simm.s32 $0x0;
	s21 =	sshll.u32 s5, $0x1;
	s5 =	sadd.s32 s22, s3  }
0x15: {  	[timem:s7], [sflag:s23] =	dma.local [hbm:s5], s21  }
0x16: {  	_ =	swait.ge [sflag:s23], s21  }
0x17: {  	s4 =	ssub.s32 $0x0, s21;
	[sflag:s23] =	ssyncset.done $0x0  }
0x18: {  	[sflag:s23] =	ssyncadd.s32 s4;
	_ =	sdelay $0x1  }
0x19: {  	s24 =	simm.s32 $0x1B8B  }
0x1a: {  	_ =	swait.ge [sflag:s24], $0x1  }
0x1b: {  	[sflag:s24] =	ssyncset.done $0x0  }
0x1c: {  	s26 =	simm.s32 $0x1B8E;
	s25 =	sld [smem:$0x3FFE];
	[sflag:s24] =	ssyncadd.s32 $0xFFFFFFFF  }
0x1d: {  	s27 =	simm.s32 $execute0_lowered;
	[smem:$0x3FD2] =	sst s26  }
0x1e: {  	s5 =	sshll.u32 s27, $0x1;
	_ =	strace $0x80000049;
	[dreg:$0x1] =	wrdreg $0xFFFFFFFF  }
0x1f: {  	s28 =	simm.s32 $_size_execute0_lowered;
	s3 =	sadd.s32 s3, s5;
	[dreg:$0x0] =	wrdreg $0x0  }
0x20: {  	s5 =	sshll.u32 s28, $0x1;
	[dreg:$0x2] =	wrdreg s3  }
0x21: {  	[dreg:$0x3] =	wrdreg s5  }
0x22: {  	[dreg:$0x4] =	wrdreg $0xC0  }
0x23: {  	_ =	task [dreg:s7], $0x5FFFF  }
0x24: {  	[dreg:$0x1] =	wrdreg $0xFFFFFFFF  }
0x25: {  	[dreg:$0x0] =	wrdreg $0x60  }
0x26: {  	[dreg:$0x2] =	wrdreg s25  }
0x27: {  	[dreg:$0x3] =	wrdreg s2  }
0x28: {  	[dreg:$0x4] =	wrdreg $0x9  }
0x29: {  	_ =	task.clear_ibuf [dreg:s7], $0x5FFFF;
	_ =	strace $0x90000049  }
0x2a: {  	s29 =	simm.s32 $0x9;
	_ =	strace $0x8000004B  }
0x2b: {  	_ =	swait.ge [sflag:s29], $0x1  }
0x2c: {  	[sflag:s29] =	ssyncadd.s32 $0xFFFFFFFF  }
0x2d: {  	_ =	strace $0x9000004B  }
0x2e: {  	_ =	sfence  }
0x2f: {  	s30 =	sld [smem:$0x0];
	_ =	sdelay $0x2  }
0x30: {  	s31 =	sshll.u32 s1, $0xD;
	s1 =	sshrl.u32 s1, $0x2  }
0x31: {  	s3 =	sand.u32 $0x4000, s31;
	s1 =	sadd.s32 s1, s30  }
0x32: {  	s0 =	sor.u32 s3, s0;
	s1 =	sshll.u32 s1, $0x11  }
0x33: {  	s0 =	sor.u32 s1, s0  }
0x34: {  	s0 =	sadd.s32 $0x8F2B, s0  }
0x35: {  	[sflag:s0] =	ssyncadd.remote.s32 $0x1  }
0x36: {  	_ =	sfence.sel $0xFFFF  }
0x37: {  	[dreg:$0x0] =	wrdreg $0xFFFFFFFF;
	(pc) =	sbr.abs _section_cstart, $3  }
0x38: {  	[dreg:$0x1] =	wrdreg $0xFFFFFFFF  }
0x39: {  	_ =	task.clear_ibuf [dreg:s7], $0x2FFFF;
	_ =	strace $0x9FFFFFFF  }
0x3a: {  	(tm) =	ssettm $0x7FFFFFFF  }
0x3b: {  	_ =	shalt  }
tec
execute0_lowered:
.L_overlay_start_1:
0x0: {  	(tag) =	ssettag $0x1  }
0x1: {  	s0 =	srdreg.scid  }
0x2: {  	s1 =	sshll.u32 s0, $0x4  }
0x3: {  	s0 =	stileid.u32;
	s1 =	sand.u32 $0x10, s1  }
0x4: {  	s1 =	sor.u32 s0, s1  }
0x5: {  	s6 =	rddreg [dreg:$0x0];
	s4 =	simm.s32 $0x1;
	s2 =	sshll.u32 s1, $0x6  }
0x6: {  	s7 =	simm.s32 $0x2;
	s13 =	simm.s32 $0x0;
	s1 =	ssub.s32 $0x1000, s2  }
0x7: {  	s8 =	simm.s32 $0x2000;
	s9 =	simm.s32 $0x80000;
	s3 =	sand.u32 $0x7C0, s1  }
0x8: {  	s14 =	simm.s32 $0x0;
	s5 =	sshrl.u32 s1, $0xB;
	p0 =	sne.s32 s3, $0x0  }
.Ltmp0:
0x9: {  	s1 =	rddreg [dreg:$0x2];
	s4 =	simm.s32 @!p0 $0x0;
	(pc) =	sbr.rel .LBB1_1-.Ltmp0, $4  }
0xa: {  	s10 =	simm.s32 $0x0;
	s3 =	rddreg [dreg:$0x1];
	s5 =	sadd.s32 s4, s5  }
0xb: {  	_ =	strace $0x8000004A;
	s4 =	simm.s32 $0x1;
	s5 =	smul.u32 $0x19, s5  }
0xc: {  	s12 =	simm.s32 $0x0;
	s6 =	sadd.s32 $0x380800, s6;
	[sflag:s4] =	ssyncpa.u1 $0x0  }
0xd: {  	s11 =	smov.u32 s2;
	[sflag:s7] =	ssyncpa.u1 $0x0;
	s7 =	sadd.s32 $0x1, s5  }
.LBB1_7:
0xe: {  	s15 =	sadd.s32 $0x2, s10  }
0xf: {  	s13 =	sadd.s32 $0x800, s11;
	s17 =	smov.u32 s11;
	p1 =	sgt.s32 s15, $0x31  }
0x10: {  	s17 =	smov.u32 @p1 s13  }
0x11: {  	s15 =	simm.s32 @p1 $0x0;
	p1 =	sgt.s32 s17, $0xFFF  }
0x12: {  	s17 =	smov.u32 @p1 s2;
	p1 =	sne.s32 s12, s7  }
.Ltmp1:
0x13: {  	p0 =	slt.u32 s12, $0x2;
	(pc) =	sbr.rel @!p1 .LBB1_8-.Ltmp1, $4  }
0x14: {  	s16 =	simm.s32 @!p0 $0x2  }
0x15: {  	s14 =	smov.u32 s11;
	_ =	swait.ge @!p0 [sflag:s16], $0x4000  }
0x16: {  	s13 =	smov.u32 s10;
	[sflag:s16] =	ssyncset.done @!p0 $0x0;
	s10 =	smov.u32 s15  }
0x17: {  	s12 =	sadd.s32 $0x1, s12;
	[sflag:s16] =	ssyncadd.s32 @!p0 $0xFFFFC000;
	s11 =	smov.u32 s17  }
.LBB1_1:
0x18: {  	p0 =	sge.u32 s12, s5  }
0x19: {  	s15 =	sand.u32 @!p0 $0x1FFFFFF, s10  }
0x1a: {  	s16 =	smulhi.u32 @!p0 $0x4924925, s15;
	_ =	sdelay $0x1  }
0x1b: {  	s16 =	smul.u32 @!p0 $0x38, s16  }
0x1c: {  	s17 =	sxor.u32 @!p0 $0xFFFFFFFF, s12;
	s18 =	smul.u32 @!p0 $0x380, s11  }
0x1d: {  	s31 =	sadd.s32 $0xFFFFFFFF, s12;
	s17 =	sshll.u32 @!p0 s17, $0xE;
	s15 =	ssub.s32 @!p0 s15, s16  }
0x1e: {  	s16 =	sand.u32 @!p0 $0x4000, s17;
	s17 =	sadd.s32 @!p0 s6, s18;
	s15 =	sshll.u32 @!p0 s15, $0x4  }
0x1f: {  	s18 =	simm.s32 @!p0 $0x1C00;
	s15 =	sadd.s32 @!p0 s15, s17;
	s17 =	simm.s32 @!p0 $0x100  }
0x20: {  	[tilespmem:s16], [sflag:$0x1] =	stream.strided.gather @!p0 [hbm4b:s15+s17], $0x4000, s18, s17, $0x38;
	[tilespmem:$0x10000] =	vst v63  }
0x21: {  	p0 =	sge.u32 s31, s5  }
.Ltmp2:
0x22: {  	_ = 	snop;
	(pc) =	sbr.rel @p0 .LBB1_7-.Ltmp2, $1  }
0x23: {  	_ =	sdelay $0x3  }
0x24: {  	_ =	swait.ge [sflag:s4], $0x4000;
	s15 =	sshll.u32 s12, $0xE  }
0x25: {  	[sflag:s4] =	ssyncset.done $0x0;
	s16 =	sand.u32 $0x4000, s15  }
0x26: {  	s17 =	simm.s32 $0x0;
	[sflag:s4] =	ssyncadd.s32 $0xFFFFC000;
	s15 =	sor.u32 $0x8000, s16  }
.LBB1_3:
0x27: {  	s18 =	sshll.u32 s17, $0x8  }
0x28: {  	s18 =	sand.u32 $0x3FFFFF00, s18  }
0x29: {  	s19 =	sshll.u32 s17, $0x7;
	s18 =	sadd.s32 s18, s16  }
0x2a: {  	s19 =	sand.u32 $0x3FFFFF80, s19;
	v0 =	vmov s18  }
0x2b: {  	s19 =	sadd.s32 s19, s15  }
0x2c: {  	p0 =	por $0x1, $0x1;
	v1 =	vmov s19;
	s18 =	simm.s32 $0x0  }
.LBB1_4:
0x2d: {  	s19 =	sshll.u32 s18, $0x7  }
0x2e: {  	s19 =	sand.u32 $0x3FFFFF80, s19  }
0x2f: {  	v2 =	vld.idx.msk [tilespmem:v0+s19+$0x0 ss:$0x1], $0xffff  }
0x30: {  	v3 =	vld.idx.msk [tilespmem:v0+s19+$0x10 ss:$0x1], $0xffff  }
0x31: {  	v4 =	vld.idx.msk [tilespmem:v0+s19+$0x20 ss:$0x1], $0xffff  }
0x32: {  	s31 =	sshll.u32 s18, $0xD;
	v5 =	vld.idx.msk [tilespmem:v0+s19+$0x30 ss:$0x1], $0xffff  }
0x33: {  	s18 =	sand.u32 $0x3FFFE000, s31;
	v6 =	vld.idx.msk [tilespmem:v0+s19+$0x40 ss:$0x1], $0xffff  }
0x34: {  	v63 =	vld.idx.msk [tilespmem:v0+s19+$0x70 ss:$0x1], $0xffff;
	[tilespmem:v1+s18+$0x0 ss:$0x1] =	vst.idx.msk $0xffff, v2  }
0x35: {  	v2 =	vld.idx.msk [tilespmem:v0+s19+$0x50 ss:$0x1], $0xffff;
	[tilespmem:v1+s18+$0x10 ss:$0x1] =	vst.idx.msk $0xffff, v3  }
0x36: {  	p1 =	por p0, p0;
	v3 =	vld.idx.msk [tilespmem:v0+s19+$0x60 ss:$0x1], $0xffff;
	[tilespmem:v1+s18+$0x20 ss:$0x1] =	vst.idx.msk $0xffff, v4  }
.Ltmp3:
0x37: {  	[tilespmem:v1+s18+$0x30 ss:$0x1] =	vst.idx.msk $0xffff, v5;
	(pc) =	sbr.rel @p1 .LBB1_4-.Ltmp3, $4  }
0x38: {  	[tilespmem:v1+s18+$0x40 ss:$0x1] =	vst.idx.msk $0xffff, v6  }
0x39: {  	[tilespmem:v1+s18+$0x70 ss:$0x1] =	vst.idx.msk $0xffff, v63  }
0x3a: {  	[tilespmem:v1+s18+$0x50 ss:$0x1] =	vst.idx.msk $0xffff, v2  }
0x3b: {  	p0 =	por $0x0, $0x0;
	[tilespmem:v1+s18+$0x60 ss:$0x1] =	vst.idx.msk $0xffff, v3;
	s18 =	simm.s32 $0x1  }
0x3c: {  	s17 =	sadd.s32 $0x1, s17  }
0x3d: {  	p0 =	sne.s32 s17, $0x40  }
.Ltmp4:
0x3e: {  	_ = 	snop;
	(pc) =	sbr.rel @p0 .LBB1_3-.Ltmp4, $1  }
0x3f: {  	_ =	sdelay $0x3  }
.Ltmp5:
0x40: {  	s14 =	sshll.u32 s14, $0x4;
	(pc) =	sbr.rel .LBB1_7-.Ltmp5, $4  }
0x41: {  	s14 =	sand.u32 $0xFFF0, s14  }
0x42: {  	s13 =	sshll.u32 s13, $0x10;
	s14 =	sadd.s32 s3, s14  }
0x43: {  	s13 =	sadd.s32 s13, s14  }
0x44: {  	[hbm4b:s13+s8] =	stream.strided.scatter [tilespmem:s15], [sflag:$0x2], $0x4000, s9, s8, $0x38;
	[tilespmem:$0x10000] =	vst v63  }
.LBB1_8:
0x45: {  	_ =	sfence.sel $0x180000  }
0x46: {  	s2 =	simm.s32 $0x1;
	[bflag:$0x0] =	sbarrier.arrive $0xFFFF  }
0x47: {  	s31 =	simm.s32 $0x2;
	[sflag:s2] =	ssyncpa.u1 $0x1  }
0x48: {  	[sflag:s31] =	ssyncpa.u1 $0x1  }
0x49: {  	p0 =	sne.s32 s0, $0x0;
	_ =	strace $0x9000004A  }
0x4a: {  	s0 =	sadd.s32 @!p0 $0x100000, s1;
	[bflag:$0x2] =	sbarrier.arrive $0xFFFF  }
0x4b: {  	[sflag:s0] =	ssyncadd.tile.s32 @!p0 $0x1;
	_ =	shalt  }
.Lfunc_end1:
_tile_overlayer_lowered:
.L_overlay_start_2:
0x4c: {  	(tag) =	ssettag $0x2  }
0x4d: {  	s0 =	rddreg [dreg:$0x0];
	s2 =	stileid.u32  }
0x4e: {  	s1 =	rddreg [dreg:$0x1];
	p0 =	sne.s32 s2, $0x0  }
0x4f: {  	s3 =	rddreg [dreg:$0x2];
	[bflag:$0x3] =	sbarrier.arrive $0xFFFF;
	s2 =	simm.s32 @!p0 $0x1C01  }
0x50: {  	[timem:s3], [sflag:s2] =	dma.local @!p0 [hbm:s0], s1  }
0x51: {  	s0 =	simm.s32 @!p0 $0x1  }
0x52: {  	_ =	swait.ge @!p0 [sflag:s0], s1  }
0x53: {  	s1 =	ssub.s32 @!p0 $0x0, s1;
	[sflag:s0] =	ssyncset.done @!p0 $0x0  }
0x54: {  	[sflag:s0] =	ssyncadd.s32 @!p0 s1  }
0x55: {  	[bflag:$0x3] =	sbarrier.arrive $0xFFFF  }
0x56: {  	_ =	shalt  }

</sc_bundles>
